<compile_context>
chip_gen: v7x
topology: tpu7x:2x2x1
jax: 0.10.2.dev20260603
libtpu: 0.0.44.dev20260713+nightly
codegen_flags: <defaults>
</compile_context>

<pallas_src>
import functools

import jax
import jax.numpy as jnp
from jax import lax
from jax.experimental import pallas as pl
from jax.experimental.pallas import tpu as pltpu
from jax.experimental.pallas import tpu_sc as plsc

_BS = 2000
_V_SPLIT = 80000
_NC = 2
_NS = 16
_L = 16
_CV = 200
_NBUF = 4
_BT = 128


def _tc_body(t_ref, x_ref, o_ref, macc, tacc, *, BS, B):
    i = pl.program_id(0)

    @pl.when(i == 0)
    def _():
        macc[...] = jnp.full((1, B), -jnp.inf, jnp.float32)
        tacc[...] = jnp.full((1, B), -jnp.inf, jnp.float32)

    x = x_ref[...]
    t = t_ref[...]
    idx = jax.lax.broadcasted_iota(jnp.int32, (BS, B), 0) + i * BS
    eq = idx == t
    neg = jnp.float32(-jnp.inf)
    mpart = jnp.max(jnp.where(eq, neg, x), axis=0, keepdims=True)
    tpart = jnp.max(jnp.where(eq, x, neg), axis=0, keepdims=True)
    macc[...] = jnp.maximum(macc[...], mpart)
    tacc[...] = jnp.maximum(tacc[...], tpart)

    @pl.when(i == pl.num_programs(0) - 1)
    def _():
        o_ref[0:1, :] = macc[...]
        o_ref[1:2, :] = tacc[...]


def _sc_body(x_hbm, t_hbm, m_hbm, tv_hbm, tgt_v, buf, res_v, sems,
             *, B, V, V0):
    VS = V - V0
    nq = 4
    span = VS // nq
    nchunk = span // _CV

    c_id = lax.axis_index("c")
    s_id = lax.axis_index("s")
    wid = s_id * _NC + c_id
    bt = wid // nq
    vq = lax.rem(wid, nq)
    b0 = bt * _BT
    v0 = V0 + vq * span

    tcp = pltpu.make_async_copy(
        t_hbm.at[pl.ds(b0, _BT)], tgt_v, sems.at[_NBUF])
    tcp.start()
    tcp.wait()

    neg = jnp.full((_L,), -jnp.inf, jnp.float32)
    tg = [tgt_v[pl.ds(bg * _L, _L)] for bg in range(_BT // _L)]

    def copy(c, slot):
        return pltpu.make_async_copy(
            x_hbm.at[pl.ds(v0 + c * _CV, _CV), pl.ds(b0, _BT)],
            buf.at[slot], sems.at[slot])

    for k in range(_NBUF - 1):
        copy(k, k).start()

    nbg = _BT // _L

    def chunk_step(c, slot, carry):
        copy(c, slot).wait()
        nxt = c + _NBUF - 1

        @pl.when(nxt < nchunk)
        def _():
            copy(nxt, (slot + _NBUF - 1) % _NBUF).start()

        chunk = buf.at[slot]

        def v_body(v, a):
            a = list(a)
            vid = jnp.full((_L,), v0 + c * _CV + v, jnp.int32)
            for bg in range(nbg):
                x16 = chunk[v, pl.ds(bg * _L, _L)]
                veq = tg[bg] == vid
                a[bg] = jnp.maximum(a[bg], jnp.where(veq, neg, x16))
                a[nbg + bg] = jnp.where(veq, x16, a[nbg + bg])
            return tuple(a)

        return lax.fori_loop(0, _CV, v_body, carry)

    def ring_body(q, carry):
        for b in range(_NBUF):
            carry = chunk_step(q * _NBUF + b, b, carry)
        return carry

    init = tuple([neg] * (2 * nbg))
    nfull = (nchunk // _NBUF) * _NBUF
    accs = lax.fori_loop(0, nchunk // _NBUF, ring_body, init)
    for c in range(nfull, nchunk):
        accs = chunk_step(c, c % _NBUF, accs)

    for bg in range(nbg):
        res_v[pl.ds(bg * _L, _L)] = accs[bg]
        res_v[pl.ds(_BT + bg * _L, _L)] = accs[nbg + bg]

    mcp = pltpu.make_async_copy(
        res_v.at[pl.ds(0, _BT)], m_hbm.at[vq, pl.ds(b0, _BT)],
        sems.at[_NBUF])
    mcp.start()
    mcp.wait()
    tvcp = pltpu.make_async_copy(
        res_v.at[pl.ds(_BT, _BT)], tv_hbm.at[vq, pl.ds(b0, _BT)],
        sems.at[_NBUF])
    tvcp.start()
    tvcp.wait()


def kernel(logits, target):
    B, V = logits.shape
    xt = logits.T
    t32 = target.astype(jnp.int32)
    t2 = t32.reshape(1, B)

    tc_out = pl.pallas_call(
        functools.partial(_tc_body, BS=_BS, B=B),
        grid=(_V_SPLIT // _BS,),
        in_specs=[
            pl.BlockSpec((1, B), lambda i: (0, 0)),
            pl.BlockSpec((_BS, B), lambda i: (i, 0)),
        ],
        out_specs=pl.BlockSpec((2, B), lambda i: (0, 0)),
        out_shape=jax.ShapeDtypeStruct((2, B), jnp.float32),
        scratch_shapes=[
            pltpu.VMEM((1, B), jnp.float32),
            pltpu.VMEM((1, B), jnp.float32),
        ],
    )(t2, xt)

    mesh = plsc.VectorSubcoreMesh(core_axis_name="c", subcore_axis_name="s")
    sc_run = pl.kernel(
        functools.partial(_sc_body, B=B, V=V, V0=_V_SPLIT),
        out_type=(
            jax.ShapeDtypeStruct((4, B), jnp.float32),
            jax.ShapeDtypeStruct((4, B), jnp.float32),
        ),
        mesh=mesh,
        compiler_params=pltpu.CompilerParams(needs_layout_passes=False),
        scratch_types=[
            pltpu.VMEM((_BT,), jnp.int32),
            pltpu.VMEM((_NBUF, _CV, _BT), jnp.float32),
            pltpu.VMEM((2 * _BT,), jnp.float32),
            pltpu.SemaphoreType.DMA((_NBUF + 1,)),
        ],
    )
    sc_m, sc_tv = sc_run(xt, t32)

    m = jnp.maximum(tc_out[0], jnp.max(sc_m, axis=0))
    tv = jnp.maximum(tc_out[1], jnp.max(sc_tv, axis=0))
    return m - tv

# --- scband reference (transcript-rebuilt; emitter-appended) ---
"""Pipeline reference for scband-average-marginl-loss-max-79482664779815 (READ-ONLY COPY).

The authoritative reference and input builder live on the scoring server;
editing this copy changes nothing except your own understanding.
"""

import jax, jax.numpy as jnp
import numpy as np


def setup_inputs(seed: int = 0) -> dict:
    key = jax.random.key(seed)
    k1, k2 = jax.random.split(key)
    logits = jax.random.normal(k1, (1024, 100000), dtype=jnp.float32)
    target = jax.random.randint(k2, (1024,), 0, 100000, dtype=jnp.int64 if jax.config.jax_enable_x64 else jnp.int32)
    return {"logits": logits, "target": target}


def reference(logits, target):
    B = target.shape[0]
    rows = jnp.arange(B)
    true_scores = logits[rows, target]
    tmp_logits = logits.at[rows, target].set(-jnp.inf)
    margin_scores = true_scores - jnp.max(tmp_logits, axis=1)
    return -margin_scores

if __name__ == "__main__":
    import jax
    _d = setup_inputs()
    print(jax.jit(kernel)(*tuple(_d.values())))

</pallas_src>

<mosaic_0001>
#map = affine_map<(d0, d1) -> (0, 0)>
#map1 = affine_map<(d0, d1) -> (0)>
module attributes {stable_mosaic.version = 14 : i64} {
  func.func @_sc_body(%arg0: i32, %arg1: i32, %arg2: memref<100000x1024xf32, #tpu.memory_space<hbm>>, %arg3: memref<1024xi32, #tpu.memory_space<hbm>>, %arg4: memref<4x1024xf32, #tpu.memory_space<hbm>>, %arg5: memref<4x1024xf32, #tpu.memory_space<hbm>>, %arg6: memref<128xi32, #tpu.memory_space<vmem>>, %arg7: memref<4x200x128xf32, #tpu.memory_space<vmem>>, %arg8: memref<256xf32, #tpu.memory_space<vmem>>, %arg9: memref<5x!tpu.dma_semaphore, #tpu.memory_space<semaphore_mem>>) attributes {dimension_semantics = [#tpu.dimension_semantics<core_parallel>, #tpu.dimension_semantics<subcore_parallel>], iteration_bounds = array<i64: 2, 16>, scalar_prefetch = 0 : i64, scratch_operands = 4 : i64, tpu.core_type = #tpu.core_type<sc_vector_subcore>, window_params = [{transform_indices = #map}, {transform_indices = #map1}, {transform_indices = #map}, {transform_indices = #map}]} {
    %mul3A = arith.constant 2 : i32
    %mul3A_0 = arith.muli %arg1, %mul3A : i32
    %add3A = arith.addi %mul3A_0, %arg0 : i32
    %jit3A = arith.constant 4 : i32
    %div3A = arith.divsi %add3A, %jit3A : i32
    %sign3A = arith.constant 0 : i32
    %sign3A_1 = arith.cmpi sgt, %add3A, %sign3A : i32
    %sign3A_2 = arith.extui %sign3A_1 : i1 to i32
    %sign3A_3 = arith.constant 0 : i32
    %sign3A_4 = arith.cmpi slt, %add3A, %sign3A_3 : i32
    %sign3A_5 = arith.extui %sign3A_4 : i1 to i32
    %sign3A_6 = arith.subi %sign3A_2, %sign3A_5 : i32
    %sign3A_7 = arith.constant 0 : i32
    %sign3A_8 = arith.cmpi sgt, %jit3A, %sign3A_7 : i32
    %sign3A_9 = arith.extui %sign3A_8 : i1 to i32
    %sign3A_10 = arith.constant 0 : i32
    %sign3A_11 = arith.cmpi slt, %jit3A, %sign3A_10 : i32
    %sign3A_12 = arith.extui %sign3A_11 : i1 to i32
    %sign3A_13 = arith.subi %sign3A_9, %sign3A_12 : i32
    %ne3A = arith.cmpi ne, %sign3A_6, %sign3A_13 : i32
    %rem3A = arith.remsi %add3A, %jit3A : i32
    %ne3A_14 = arith.constant 0 : i32
    %ne3A_15 = arith.cmpi ne, %rem3A, %ne3A_14 : i32
    %and3A = arith.andi %ne3A, %ne3A_15 : i1
    %sub3A = arith.constant 1 : i32
    %sub3A_16 = arith.subi %div3A, %sub3A : i32
    %select_n3A = arith.select %and3A, %sub3A_16, %div3A : i32
    %rem3A_17 = arith.constant 4 : i32
    %rem3A_18 = arith.remsi %add3A, %rem3A_17 : i32
    %mul3A_19 = arith.constant 128 : i32
    %mul3A_20 = arith.muli %select_n3A, %mul3A_19 : i32
    %mul3A_21 = arith.constant 5000 : i32
    %mul3A_22 = arith.muli %rem3A_18, %mul3A_21 : i32
    %add3A_23 = arith.constant 80000 : i32
    %add3A_24 = arith.addi %add3A_23, %mul3A_22 : i32
    %dma_start3A = arith.constant 4 : i32
    %dma_start3A_25 = tpu.memref_slice %arg3[%mul3A_20] : memref<1024xi32, #tpu.memory_space<hbm>> -> memref<128xi32, #tpu.memory_space<hbm>>
    %dma_start3A_26 = tpu.memref_slice %arg9[%dma_start3A] : memref<5x!tpu.dma_semaphore, #tpu.memory_space<semaphore_mem>> -> memref<1x!tpu.dma_semaphore, #tpu.memory_space<semaphore_mem>>
    %dma_start3A_27 = tpu.memref_squeeze %dma_start3A_26 : memref<1x!tpu.dma_semaphore, #tpu.memory_space<semaphore_mem>> -> memref<!tpu.dma_semaphore, #tpu.memory_space<semaphore_mem>>
    %dma_start3A_28 = tpu.memref_slice %arg3[%mul3A_20] : memref<1024xi32, #tpu.memory_space<hbm>> -> memref<128xi32, #tpu.memory_space<hbm>>
    tpu.enqueue_dma source(%dma_start3A_28 : memref<128xi32, #tpu.memory_space<hbm>>) target(%arg6 : memref<128xi32, #tpu.memory_space<vmem>>) target_semaphore(%dma_start3A_27 : memref<!tpu.dma_semaphore, #tpu.memory_space<semaphore_mem>>)
    %dma_wait3A = arith.constant 4 : i32
    %dma_wait3A_29 = tpu.memref_slice %arg3[%mul3A_20] : memref<1024xi32, #tpu.memory_space<hbm>> -> memref<128xi32, #tpu.memory_space<hbm>>
    %dma_wait3A_30 = tpu.memref_slice %arg9[%dma_wait3A] : memref<5x!tpu.dma_semaphore, #tpu.memory_space<semaphore_mem>> -> memref<1x!tpu.dma_semaphore, #tpu.memory_space<semaphore_mem>>
    %dma_wait3A_31 = tpu.memref_squeeze %dma_wait3A_30 : memref<1x!tpu.dma_semaphore, #tpu.memory_space<semaphore_mem>> -> memref<!tpu.dma_semaphore, #tpu.memory_space<semaphore_mem>>
    %dma_wait3A_32 = tpu.memref_slice %arg3[%mul3A_20] : memref<1024xi32, #tpu.memory_space<hbm>> -> memref<128xi32, #tpu.memory_space<hbm>>
    tpu.wait_dma2 semaphore(%dma_wait3A_31 : memref<!tpu.dma_semaphore, #tpu.memory_space<semaphore_mem>>) src(%dma_wait3A_32 : memref<128xi32, #tpu.memory_space<hbm>>) dst(%arg6 : memref<128xi32, #tpu.memory_space<vmem>>)
    %broadcast_in_dim3A = arith.constant 0xFF800000 : f32
    %broadcast_in_dim3A_33 = vector.broadcast %broadcast_in_dim3A : f32 to vector<16xf32>
    %get3A = arith.constant 0 : index
    %get3A_34 = tpu.vector_load %arg6[%get3A] {strides = array<i32>} : memref<128xi32, #tpu.memory_space<vmem>>, vector<16xi32>,
    %get3A_35 = arith.constant 16 : index
    %get3A_36 = tpu.vector_load %arg6[%get3A_35] {strides = array<i32>} : memref<128xi32, #tpu.memory_space<vmem>>, vector<16xi32>,
    %get3A_37 = arith.constant 32 : index
    %get3A_38 = tpu.vector_load %arg6[%get3A_37] {strides = array<i32>} : memref<128xi32, #tpu.memory_space<vmem>>, vector<16xi32>,
    %get3A_39 = arith.constant 48 : index
    %get3A_40 = tpu.vector_load %arg6[%get3A_39] {strides = array<i32>} : memref<128xi32, #tpu.memory_space<vmem>>, vector<16xi32>,
    %get3A_41 = arith.constant 64 : index
    %get3A_42 = tpu.vector_load %arg6[%get3A_41] {strides = array<i32>} : memref<128xi32, #tpu.memory_space<vmem>>, vector<16xi32>,
    %get3A_43 = arith.constant 80 : index
    %get3A_44 = tpu.vector_load %arg6[%get3A_43] {strides = array<i32>} : memref<128xi32, #tpu.memory_space<vmem>>, vector<16xi32>,
    %get3A_45 = arith.constant 96 : index
    %get3A_46 = tpu.vector_load %arg6[%get3A_45] {strides = array<i32>} : memref<128xi32, #tpu.memory_space<vmem>>, vector<16xi32>,
    %get3A_47 = arith.constant 112 : index
    %get3A_48 = tpu.vector_load %arg6[%get3A_47] {strides = array<i32>} : memref<128xi32, #tpu.memory_space<vmem>>, vector<16xi32>,
    %add3A_49 = arith.constant 0 : i32
    %add3A_50 = arith.addi %add3A_24, %add3A_49 : i32
    %dma_start3A_51 = arith.constant 0 : i32
    %dma_start3A_52 = arith.constant 0 : i32
    %dma_start3A_53 = arith.constant 0 : i32
    %dma_start3A_54 = arith.constant 0 : i32
    %dma_start3A_55 = tpu.memref_slice %arg7[%dma_start3A_51, %dma_start3A_53, %dma_start3A_54] : memref<4x200x128xf32, #tpu.memory_space<vmem>> -> memref<1x200x128xf32, #tpu.memory_space<vmem>>
    %dma_start3A_56 = tpu.memref_squeeze %dma_start3A_55 : memref<1x200x128xf32, #tpu.memory_space<vmem>> -> memref<200x128xf32, #tpu.memory_space<vmem>>
    %dma_start3A_57 = tpu.memref_slice %arg2[%add3A_50, %mul3A_20] : memref<100000x1024xf32, #tpu.memory_space<hbm>> -> memref<200x128xf32, #tpu.memory_space<hbm>>
    %dma_start3A_58 = tpu.memref_slice %arg9[%dma_start3A_52] : memref<5x!tpu.dma_semaphore, #tpu.memory_space<semaphore_mem>> -> memref<1x!tpu.dma_semaphore, #tpu.memory_space<semaphore_mem>>
    %dma_start3A_59 = tpu.memref_squeeze %dma_start3A_58 : memref<1x!tpu.dma_semaphore, #tpu.memory_space<semaphore_mem>> -> memref<!tpu.dma_semaphore, #tpu.memory_space<semaphore_mem>>
    %dma_start3A_60 = arith.constant 0 : i32
    %dma_start3A_61 = arith.constant 0 : i32
    %dma_start3A_62 = tpu.memref_slice %arg7[%dma_start3A_51, %dma_start3A_60, %dma_start3A_61] : memref<4x200x128xf32, #tpu.memory_space<vmem>> -> memref<1x200x128xf32, #tpu.memory_space<vmem>>
    %dma_start3A_63 = tpu.memref_squeeze %dma_start3A_62 : memref<1x200x128xf32, #tpu.memory_space<vmem>> -> memref<200x128xf32, #tpu.memory_space<vmem>>
    %dma_start3A_64 = tpu.memref_slice %arg2[%add3A_50, %mul3A_20] : memref<100000x1024xf32, #tpu.memory_space<hbm>> -> memref<200x128xf32, #tpu.memory_space<hbm>>
    tpu.enqueue_dma source(%dma_start3A_64 : memref<200x128xf32, #tpu.memory_space<hbm>>) target(%dma_start3A_63 : memref<200x128xf32, #tpu.memory_space<vmem>>) target_semaphore(%dma_start3A_59 : memref<!tpu.dma_semaphore, #tpu.memory_space<semaphore_mem>>)
    %add3A_65 = arith.constant 200 : i32
    %add3A_66 = arith.addi %add3A_24, %add3A_65 : i32
    %dma_start3A_67 = arith.constant 1 : i32
    %dma_start3A_68 = arith.constant 1 : i32
    %dma_start3A_69 = arith.constant 0 : i32
    %dma_start3A_70 = arith.constant 0 : i32
    %dma_start3A_71 = tpu.memref_slice %arg7[%dma_start3A_67, %dma_start3A_69, %dma_start3A_70] : memref<4x200x128xf32, #tpu.memory_space<vmem>> -> memref<1x200x128xf32, #tpu.memory_space<vmem>>
    %dma_start3A_72 = tpu.memref_squeeze %dma_start3A_71 : memref<1x200x128xf32, #tpu.memory_space<vmem>> -> memref<200x128xf32, #tpu.memory_space<vmem>>
    %dma_start3A_73 = tpu.memref_slice %arg2[%add3A_66, %mul3A_20] : memref<100000x1024xf32, #tpu.memory_space<hbm>> -> memref<200x128xf32, #tpu.memory_space<hbm>>
    %dma_start3A_74 = tpu.memref_slice %arg9[%dma_start3A_68] : memref<5x!tpu.dma_semaphore, #tpu.memory_space<semaphore_mem>> -> memref<1x!tpu.dma_semaphore, #tpu.memory_space<semaphore_mem>>
    %dma_start3A_75 = tpu.memref_squeeze %dma_start3A_74 : memref<1x!tpu.dma_semaphore, #tpu.memory_space<semaphore_mem>> -> memref<!tpu.dma_semaphore, #tpu.memory_space<semaphore_mem>>
    %dma_start3A_76 = arith.constant 0 : i32
    %dma_start3A_77 = arith.constant 0 : i32
    %dma_start3A_78 = tpu.memref_slice %arg7[%dma_start3A_67, %dma_start3A_76, %dma_start3A_77] : memref<4x200x128xf32, #tpu.memory_space<vmem>> -> memref<1x200x128xf32, #tpu.memory_space<vmem>>
    %dma_start3A_79 = tpu.memref_squeeze %dma_start3A_78 : memref<1x200x128xf32, #tpu.memory_space<vmem>> -> memref<200x128xf32, #tpu.memory_space<vmem>>
    %dma_start3A_80 = tpu.memref_slice %arg2[%add3A_66, %mul3A_20] : memref<100000x1024xf32, #tpu.memory_space<hbm>> -> memref<200x128xf32, #tpu.memory_space<hbm>>
    tpu.enqueue_dma source(%dma_start3A_80 : memref<200x128xf32, #tpu.memory_space<hbm>>) target(%dma_start3A_79 : memref<200x128xf32, #tpu.memory_space<vmem>>) target_semaphore(%dma_start3A_75 : memref<!tpu.dma_semaphore, #tpu.memory_space<semaphore_mem>>)
    %add3A_81 = arith.constant 400 : i32
    %add3A_82 = arith.addi %add3A_24, %add3A_81 : i32
    %dma_start3A_83 = arith.constant 2 : i32
    %dma_start3A_84 = arith.constant 2 : i32
    %dma_start3A_85 = arith.constant 0 : i32
    %dma_start3A_86 = arith.constant 0 : i32
    %dma_start3A_87 = tpu.memref_slice %arg7[%dma_start3A_83, %dma_start3A_85, %dma_start3A_86] : memref<4x200x128xf32, #tpu.memory_space<vmem>> -> memref<1x200x128xf32, #tpu.memory_space<vmem>>
    %dma_start3A_88 = tpu.memref_squeeze %dma_start3A_87 : memref<1x200x128xf32, #tpu.memory_space<vmem>> -> memref<200x128xf32, #tpu.memory_space<vmem>>
    %dma_start3A_89 = tpu.memref_slice %arg2[%add3A_82, %mul3A_20] : memref<100000x1024xf32, #tpu.memory_space<hbm>> -> memref<200x128xf32, #tpu.memory_space<hbm>>
    %dma_start3A_90 = tpu.memref_slice %arg9[%dma_start3A_84] : memref<5x!tpu.dma_semaphore, #tpu.memory_space<semaphore_mem>> -> memref<1x!tpu.dma_semaphore, #tpu.memory_space<semaphore_mem>>
    %dma_start3A_91 = tpu.memref_squeeze %dma_start3A_90 : memref<1x!tpu.dma_semaphore, #tpu.memory_space<semaphore_mem>> -> memref<!tpu.dma_semaphore, #tpu.memory_space<semaphore_mem>>
    %dma_start3A_92 = arith.constant 0 : i32
    %dma_start3A_93 = arith.constant 0 : i32
    %dma_start3A_94 = tpu.memref_slice %arg7[%dma_start3A_83, %dma_start3A_92, %dma_start3A_93] : memref<4x200x128xf32, #tpu.memory_space<vmem>> -> memref<1x200x128xf32, #tpu.memory_space<vmem>>
    %dma_start3A_95 = tpu.memref_squeeze %dma_start3A_94 : memref<1x200x128xf32, #tpu.memory_space<vmem>> -> memref<200x128xf32, #tpu.memory_space<vmem>>
    %dma_start3A_96 = tpu.memref_slice %arg2[%add3A_82, %mul3A_20] : memref<100000x1024xf32, #tpu.memory_space<hbm>> -> memref<200x128xf32, #tpu.memory_space<hbm>>
    tpu.enqueue_dma source(%dma_start3A_96 : memref<200x128xf32, #tpu.memory_space<hbm>>) target(%dma_start3A_95 : memref<200x128xf32, #tpu.memory_space<vmem>>) target_semaphore(%dma_start3A_91 : memref<!tpu.dma_semaphore, #tpu.memory_space<semaphore_mem>>)
    %scan3A = arith.constant 0 : i32
    %scan3A_97 = arith.constant 6 : i32
    %scan3A_98 = arith.addi %scan3A, %scan3A_97 : i32
    %scan3A_99 = arith.constant 1 : i32
    %scan3A_100:16 = scf.for %scan3A_200 = %scan3A to %scan3A_98 step %scan3A_99 iter_args(%scan3A_201 = %broadcast_in_dim3A_33, %scan3A_202 = %broadcast_in_dim3A_33, %scan3A_203 = %broadcast_in_dim3A_33, %scan3A_204 = %broadcast_in_dim3A_33, %scan3A_205 = %broadcast_in_dim3A_33, %scan3A_206 = %broadcast_in_dim3A_33, %scan3A_207 = %broadcast_in_dim3A_33, %scan3A_208 = %broadcast_in_dim3A_33, %scan3A_209 = %broadcast_in_dim3A_33, %scan3A_210 = %broadcast_in_dim3A_33, %scan3A_211 = %broadcast_in_dim3A_33, %scan3A_212 = %broadcast_in_dim3A_33, %scan3A_213 = %broadcast_in_dim3A_33, %scan3A_214 = %broadcast_in_dim3A_33, %scan3A_215 = %broadcast_in_dim3A_33, %scan3A_216 = %broadcast_in_dim3A_33) -> (vector<16xf32>, vector<16xf32>, vector<16xf32>, vector<16xf32>, vector<16xf32>, vector<16xf32>, vector<16xf32>, vector<16xf32>, vector<16xf32>, vector<16xf32>, vector<16xf32>, vector<16xf32>, vector<16xf32>, vector<16xf32>, vector<16xf32>, vector<16xf32>)  : i32 {
      %mul3A_217 = arith.constant 4 : i32
      %mul3A_218 = arith.muli %scan3A_200, %mul3A_217 : i32
      %add3A_219 = arith.constant 0 : i32
      %add3A_220 = arith.addi %mul3A_218, %add3A_219 : i32
      %mul3A_221 = arith.constant 200 : i32
      %mul3A_222 = arith.muli %add3A_220, %mul3A_221 : i32
      %add3A_223 = arith.addi %add3A_24, %mul3A_222 : i32
      %dma_wait3A_224 = arith.constant 0 : i32
      %dma_wait3A_225 = arith.constant 0 : i32
      %dma_wait3A_226 = arith.constant 0 : i32
      %dma_wait3A_227 = arith.constant 0 : i32
      %dma_wait3A_228 = tpu.memref_slice %arg7[%dma_wait3A_224, %dma_wait3A_226, %dma_wait3A_227] : memref<4x200x128xf32, #tpu.memory_space<vmem>> -> memref<1x200x128xf32, #tpu.memory_space<vmem>>
      %dma_wait3A_229 = tpu.memref_squeeze %dma_wait3A_228 : memref<1x200x128xf32, #tpu.memory_space<vmem>> -> memref<200x128xf32, #tpu.memory_space<vmem>>
      %dma_wait3A_230 = tpu.memref_slice %arg2[%add3A_223, %mul3A_20] : memref<100000x1024xf32, #tpu.memory_space<hbm>> -> memref<200x128xf32, #tpu.memory_space<hbm>>
      %dma_wait3A_231 = tpu.memref_slice %arg9[%dma_wait3A_225] : memref<5x!tpu.dma_semaphore, #tpu.memory_space<semaphore_mem>> -> memref<1x!tpu.dma_semaphore, #tpu.memory_space<semaphore_mem>>
      %dma_wait3A_232 = tpu.memref_squeeze %dma_wait3A_231 : memref<1x!tpu.dma_semaphore, #tpu.memory_space<semaphore_mem>> -> memref<!tpu.dma_semaphore, #tpu.memory_space<semaphore_mem>>
      %dma_wait3A_233 = arith.constant 0 : i32
      %dma_wait3A_234 = arith.constant 0 : i32
      %dma_wait3A_235 = tpu.memref_slice %arg7[%dma_wait3A_224, %dma_wait3A_233, %dma_wait3A_234] : memref<4x200x128xf32, #tpu.memory_space<vmem>> -> memref<1x200x128xf32, #tpu.memory_space<vmem>>
      %dma_wait3A_236 = tpu.memref_squeeze %dma_wait3A_235 : memref<1x200x128xf32, #tpu.memory_space<vmem>> -> memref<200x128xf32, #tpu.memory_space<vmem>>
      %dma_wait3A_237 = tpu.memref_slice %arg2[%add3A_223, %mul3A_20] : memref<100000x1024xf32, #tpu.memory_space<hbm>> -> memref<200x128xf32, #tpu.memory_space<hbm>>
      tpu.wait_dma2 semaphore(%dma_wait3A_232 : memref<!tpu.dma_semaphore, #tpu.memory_space<semaphore_mem>>) src(%dma_wait3A_237 : memref<200x128xf32, #tpu.memory_space<hbm>>) dst(%dma_wait3A_236 : memref<200x128xf32, #tpu.memory_space<vmem>>)
      %add3A_238 = arith.constant 4 : i32
      %add3A_239 = arith.addi %add3A_220, %add3A_238 : i32
      %sub3A_240 = arith.constant 1 : i32
      %sub3A_241 = arith.subi %add3A_239, %sub3A_240 : i32
      %lt3A = arith.constant 25 : i32
      %lt3A_242 = arith.cmpi slt, %sub3A_241, %lt3A : i32
      %convert_element_type3A = arith.extui %lt3A_242 : i1 to i32
      %cond3A = arith.constant 0 : i32
      %cond3A_243 = arith.cmpi ne, %convert_element_type3A, %cond3A : i32
      scf.if %cond3A_243 {
        %mul3A_362 = arith.constant 200 : i32
        %mul3A_363 = arith.muli %sub3A_241, %mul3A_362 : i32
        %add3A_364 = arith.addi %add3A_24, %mul3A_363 : i32
        %dma_start3A_365 = arith.constant 3 : i32
        %dma_start3A_366 = arith.constant 3 : i32
        %dma_start3A_367 = arith.constant 0 : i32
        %dma_start3A_368 = arith.constant 0 : i32
        %dma_start3A_369 = tpu.memref_slice %arg7[%dma_start3A_365, %dma_start3A_367, %dma_start3A_368] : memref<4x200x128xf32, #tpu.memory_space<vmem>> -> memref<1x200x128xf32, #tpu.memory_space<vmem>>
        %dma_start3A_370 = tpu.memref_squeeze %dma_start3A_369 : memref<1x200x128xf32, #tpu.memory_space<vmem>> -> memref<200x128xf32, #tpu.memory_space<vmem>>
        %dma_start3A_371 = tpu.memref_slice %arg2[%add3A_364, %mul3A_20] : memref<100000x1024xf32, #tpu.memory_space<hbm>> -> memref<200x128xf32, #tpu.memory_space<hbm>>
        %dma_start3A_372 = tpu.memref_slice %arg9[%dma_start3A_366] : memref<5x!tpu.dma_semaphore, #tpu.memory_space<semaphore_mem>> -> memref<1x!tpu.dma_semaphore, #tpu.memory_space<semaphore_mem>>
        %dma_start3A_373 = tpu.memref_squeeze %dma_start3A_372 : memref<1x!tpu.dma_semaphore, #tpu.memory_space<semaphore_mem>> -> memref<!tpu.dma_semaphore, #tpu.memory_space<semaphore_mem>>
        %dma_start3A_374 = arith.constant 0 : i32
        %dma_start3A_375 = arith.constant 0 : i32
        %dma_start3A_376 = tpu.memref_slice %arg7[%dma_start3A_365, %dma_start3A_374, %dma_start3A_375] : memref<4x200x128xf32, #tpu.memory_space<vmem>> -> memref<1x200x128xf32, #tpu.memory_space<vmem>>
        %dma_start3A_377 = tpu.memref_squeeze %dma_start3A_376 : memref<1x200x128xf32, #tpu.memory_space<vmem>> -> memref<200x128xf32, #tpu.memory_space<vmem>>
        %dma_start3A_378 = tpu.memref_slice %arg2[%add3A_364, %mul3A_20] : memref<100000x1024xf32, #tpu.memory_space<hbm>> -> memref<200x128xf32, #tpu.memory_space<hbm>>
        tpu.enqueue_dma source(%dma_start3A_378 : memref<200x128xf32, #tpu.memory_space<hbm>>) target(%dma_start3A_377 : memref<200x128xf32, #tpu.memory_space<vmem>>) target_semaphore(%dma_start3A_373 : memref<!tpu.dma_semaphore, #tpu.memory_space<semaphore_mem>>)
      } else {
      }
      %scan3A_244 = arith.constant 0 : i32
      %scan3A_245 = arith.constant 0 : i32
      %scan3A_246 = arith.constant 200 : i32
      %scan3A_247 = arith.addi %scan3A_245, %scan3A_246 : i32
      %scan3A_248 = arith.constant 1 : i32
      %scan3A_249:16 = scf.for %scan3A_362 = %scan3A_245 to %scan3A_247 step %scan3A_248 iter_args(%scan3A_363 = %scan3A_201, %scan3A_364 = %scan3A_202, %scan3A_365 = %scan3A_203, %scan3A_366 = %scan3A_204, %scan3A_367 = %scan3A_205, %scan3A_368 = %scan3A_206, %scan3A_369 = %scan3A_207, %scan3A_370 = %scan3A_208, %scan3A_371 = %scan3A_209, %scan3A_372 = %scan3A_210, %scan3A_373 = %scan3A_211, %scan3A_374 = %scan3A_212, %scan3A_375 = %scan3A_213, %scan3A_376 = %scan3A_214, %scan3A_377 = %scan3A_215, %scan3A_378 = %scan3A_216) -> (vector<16xf32>, vector<16xf32>, vector<16xf32>, vector<16xf32>, vector<16xf32>, vector<16xf32>, vector<16xf32>, vector<16xf32>, vector<16xf32>, vector<16xf32>, vector<16xf32>, vector<16xf32>, vector<16xf32>, vector<16xf32>, vector<16xf32>, vector<16xf32>)  : i32 {
        %mul3A_379 = arith.constant 200 : i32
        %mul3A_380 = arith.muli %add3A_220, %mul3A_379 : i32
        %add3A_381 = arith.addi %add3A_24, %mul3A_380 : i32
        %add3A_382 = arith.addi %add3A_381, %scan3A_362 : i32
        %broadcast_in_dim3A_383 = vector.broadcast %add3A_382 : i32 to vector<16xi32>
        %get3A_384 = arith.constant 0 : i32
        %get3A_385 = arith.constant 0 : i32
        %get3A_386 = tpu.memref_slice %arg7[%scan3A_244, %get3A_384, %get3A_385] : memref<4x200x128xf32, #tpu.memory_space<vmem>> -> memref<1x200x128xf32, #tpu.memory_space<vmem>>
        %get3A_387 = tpu.memref_squeeze %get3A_386 : memref<1x200x128xf32, #tpu.memory_space<vmem>> -> memref<200x128xf32, #tpu.memory_space<vmem>>
        %get3A_388 = arith.index_cast %scan3A_362 : i32 to index
        %get3A_389 = arith.constant 0 : index
        %get3A_390 = tpu.vector_load %get3A_387[%get3A_388, %get3A_389] {strides = array<i32>} : memref<200x128xf32, #tpu.memory_space<vmem>>, vector<16xf32>,
        %eq3A = arith.cmpi eq, %get3A_34, %broadcast_in_dim3A_383 : vector<16xi32>
        %select_n3A_391 = arith.select %eq3A, %broadcast_in_dim3A_33, %get3A_390 : vector<16xi1>, vector<16xf32>
        %max3A = arith.maximumf %scan3A_363, %select_n3A_391 : vector<16xf32>
        %select_n3A_392 = arith.select %eq3A, %get3A_390, %scan3A_371 : vector<16xi1>, vector<16xf32>
        %get3A_393 = arith.constant 0 : i32
        %get3A_394 = arith.constant 0 : i32
        %get3A_395 = tpu.memref_slice %arg7[%scan3A_244, %get3A_393, %get3A_394] : memref<4x200x128xf32, #tpu.memory_space<vmem>> -> memref<1x200x128xf32, #tpu.memory_space<vmem>>
        %get3A_396 = tpu.memref_squeeze %get3A_395 : memref<1x200x128xf32, #tpu.memory_space<vmem>> -> memref<200x128xf32, #tpu.memory_space<vmem>>
        %get3A_397 = arith.index_cast %scan3A_362 : i32 to index
        %get3A_398 = arith.constant 16 : index
        %get3A_399 = tpu.vector_load %get3A_396[%get3A_397, %get3A_398] {strides = array<i32>} : memref<200x128xf32, #tpu.memory_space<vmem>>, vector<16xf32>,
        %eq3A_400 = arith.cmpi eq, %get3A_36, %broadcast_in_dim3A_383 : vector<16xi32>
        %select_n3A_401 = arith.select %eq3A_400, %broadcast_in_dim3A_33, %get3A_399 : vector<16xi1>, vector<16xf32>
        %max3A_402 = arith.maximumf %scan3A_364, %select_n3A_401 : vector<16xf32>
        %select_n3A_403 = arith.select %eq3A_400, %get3A_399, %scan3A_372 : vector<16xi1>, vector<16xf32>
        %get3A_404 = arith.constant 0 : i32
        %get3A_405 = arith.constant 0 : i32
        %get3A_406 = tpu.memref_slice %arg7[%scan3A_244, %get3A_404, %get3A_405] : memref<4x200x128xf32, #tpu.memory_space<vmem>> -> memref<1x200x128xf32, #tpu.memory_space<vmem>>
        %get3A_407 = tpu.memref_squeeze %get3A_406 : memref<1x200x128xf32, #tpu.memory_space<vmem>> -> memref<200x128xf32, #tpu.memory_space<vmem>>
        %get3A_408 = arith.index_cast %scan3A_362 : i32 to index
        %get3A_409 = arith.constant 32 : index
        %get3A_410 = tpu.vector_load %get3A_407[%get3A_408, %get3A_409] {strides = array<i32>} : memref<200x128xf32, #tpu.memory_space<vmem>>, vector<16xf32>,
        %eq3A_411 = arith.cmpi eq, %get3A_38, %broadcast_in_dim3A_383 : vector<16xi32>
        %select_n3A_412 = arith.select %eq3A_411, %broadcast_in_dim3A_33, %get3A_410 : vector<16xi1>, vector<16xf32>
        %max3A_413 = arith.maximumf %scan3A_365, %select_n3A_412 : vector<16xf32>
        %select_n3A_414 = arith.select %eq3A_411, %get3A_410, %scan3A_373 : vector<16xi1>, vector<16xf32>
        %get3A_415 = arith.constant 0 : i32
        %get3A_416 = arith.constant 0 : i32
        %get3A_417 = tpu.memref_slice %arg7[%scan3A_244, %get3A_415, %get3A_416] : memref<4x200x128xf32, #tpu.memory_space<vmem>> -> memref<1x200x128xf32, #tpu.memory_space<vmem>>
        %get3A_418 = tpu.memref_squeeze %get3A_417 : memref<1x200x128xf32, #tpu.memory_space<vmem>> -> memref<200x128xf32, #tpu.memory_space<vmem>>
        %get3A_419 = arith.index_cast %scan3A_362 : i32 to index
        %get3A_420 = arith.constant 48 : index
        %get3A_421 = tpu.vector_load %get3A_418[%get3A_419, %get3A_420] {strides = array<i32>} : memref<200x128xf32, #tpu.memory_space<vmem>>, vector<16xf32>,
        %eq3A_422 = arith.cmpi eq, %get3A_40, %broadcast_in_dim3A_383 : vector<16xi32>
        %select_n3A_423 = arith.select %eq3A_422, %broadcast_in_dim3A_33, %get3A_421 : vector<16xi1>, vector<16xf32>
        %max3A_424 = arith.maximumf %scan3A_366, %select_n3A_423 : vector<16xf32>
        %select_n3A_425 = arith.select %eq3A_422, %get3A_421, %scan3A_374 : vector<16xi1>, vector<16xf32>
        %get3A_426 = arith.constant 0 : i32
        %get3A_427 = arith.constant 0 : i32
        %get3A_428 = tpu.memref_slice %arg7[%scan3A_244, %get3A_426, %get3A_427] : memref<4x200x128xf32, #tpu.memory_space<vmem>> -> memref<1x200x128xf32, #tpu.memory_space<vmem>>
        %get3A_429 = tpu.memref_squeeze %get3A_428 : memref<1x200x128xf32, #tpu.memory_space<vmem>> -> memref<200x128xf32, #tpu.memory_space<vmem>>
        %get3A_430 = arith.index_cast %scan3A_362 : i32 to index
        %get3A_431 = arith.constant 64 : index
        %get3A_432 = tpu.vector_load %get3A_429[%get3A_430, %get3A_431] {strides = array<i32>} : memref<200x128xf32, #tpu.memory_space<vmem>>, vector<16xf32>,
        %eq3A_433 = arith.cmpi eq, %get3A_42, %broadcast_in_dim3A_383 : vector<16xi32>
        %select_n3A_434 = arith.select %eq3A_433, %broadcast_in_dim3A_33, %get3A_432 : vector<16xi1>, vector<16xf32>
        %max3A_435 = arith.maximumf %scan3A_367, %select_n3A_434 : vector<16xf32>
        %select_n3A_436 = arith.select %eq3A_433, %get3A_432, %scan3A_375 : vector<16xi1>, vector<16xf32>
        %get3A_437 = arith.constant 0 : i32
        %get3A_438 = arith.constant 0 : i32
        %get3A_439 = tpu.memref_slice %arg7[%scan3A_244, %get3A_437, %get3A_438] : memref<4x200x128xf32, #tpu.memory_space<vmem>> -> memref<1x200x128xf32, #tpu.memory_space<vmem>>
        %get3A_440 = tpu.memref_squeeze %get3A_439 : memref<1x200x128xf32, #tpu.memory_space<vmem>> -> memref<200x128xf32, #tpu.memory_space<vmem>>
        %get3A_441 = arith.index_cast %scan3A_362 : i32 to index
        %get3A_442 = arith.constant 80 : index
        %get3A_443 = tpu.vector_load %get3A_440[%get3A_441, %get3A_442] {strides = array<i32>} : memref<200x128xf32, #tpu.memory_space<vmem>>, vector<16xf32>,
        %eq3A_444 = arith.cmpi eq, %get3A_44, %broadcast_in_dim3A_383 : vector<16xi32>
        %select_n3A_445 = arith.select %eq3A_444, %broadcast_in_dim3A_33, %get3A_443 : vector<16xi1>, vector<16xf32>
        %max3A_446 = arith.maximumf %scan3A_368, %select_n3A_445 : vector<16xf32>
        %select_n3A_447 = arith.select %eq3A_444, %get3A_443, %scan3A_376 : vector<16xi1>, vector<16xf32>
        %get3A_448 = arith.constant 0 : i32
        %get3A_449 = arith.constant 0 : i32
        %get3A_450 = tpu.memref_slice %arg7[%scan3A_244, %get3A_448, %get3A_449] : memref<4x200x128xf32, #tpu.memory_space<vmem>> -> memref<1x200x128xf32, #tpu.memory_space<vmem>>
        %get3A_451 = tpu.memref_squeeze %get3A_450 : memref<1x200x128xf32, #tpu.memory_space<vmem>> -> memref<200x128xf32, #tpu.memory_space<vmem>>
        %get3A_452 = arith.index_cast %scan3A_362 : i32 to index
        %get3A_453 = arith.constant 96 : index
        %get3A_454 = tpu.vector_load %get3A_451[%get3A_452, %get3A_453] {strides = array<i32>} : memref<200x128xf32, #tpu.memory_space<vmem>>, vector<16xf32>,
        %eq3A_455 = arith.cmpi eq, %get3A_46, %broadcast_in_dim3A_383 : vector<16xi32>
        %select_n3A_456 = arith.select %eq3A_455, %broadcast_in_dim3A_33, %get3A_454 : vector<16xi1>, vector<16xf32>
        %max3A_457 = arith.maximumf %scan3A_369, %select_n3A_456 : vector<16xf32>
        %select_n3A_458 = arith.select %eq3A_455, %get3A_454, %scan3A_377 : vector<16xi1>, vector<16xf32>
        %get3A_459 = arith.constant 0 : i32
        %get3A_460 = arith.constant 0 : i32
        %get3A_461 = tpu.memref_slice %arg7[%scan3A_244, %get3A_459, %get3A_460] : memref<4x200x128xf32, #tpu.memory_space<vmem>> -> memref<1x200x128xf32, #tpu.memory_space<vmem>>
        %get3A_462 = tpu.memref_squeeze %get3A_461 : memref<1x200x128xf32, #tpu.memory_space<vmem>> -> memref<200x128xf32, #tpu.memory_space<vmem>>
        %get3A_463 = arith.index_cast %scan3A_362 : i32 to index
        %get3A_464 = arith.constant 112 : index
        %get3A_465 = tpu.vector_load %get3A_462[%get3A_463, %get3A_464] {strides = array<i32>} : memref<200x128xf32, #tpu.memory_space<vmem>>, vector<16xf32>,
        %eq3A_466 = arith.cmpi eq, %get3A_48, %broadcast_in_dim3A_383 : vector<16xi32>
        %select_n3A_467 = arith.select %eq3A_466, %broadcast_in_dim3A_33, %get3A_465 : vector<16xi1>, vector<16xf32>
        %max3A_468 = arith.maximumf %scan3A_370, %select_n3A_467 : vector<16xf32>
        %select_n3A_469 = arith.select %eq3A_466, %get3A_465, %scan3A_378 : vector<16xi1>, vector<16xf32>
        scf.yield %max3A, %max3A_402, %max3A_413, %max3A_424, %max3A_435, %max3A_446, %max3A_457, %max3A_468, %select_n3A_392, %select_n3A_403, %select_n3A_414, %select_n3A_425, %select_n3A_436, %select_n3A_447, %select_n3A_458, %select_n3A_469 : vector<16xf32>, vector<16xf32>, vector<16xf32>, vector<16xf32>, vector<16xf32>, vector<16xf32>, vector<16xf32>, vector<16xf32>, vector<16xf32>, vector<16xf32>, vector<16xf32>, vector<16xf32>, vector<16xf32>, vector<16xf32>, vector<16xf32>, vector<16xf32>
      }
      %scan3A_250 = arith.constant 200 : i32
      %mul3A_251 = arith.constant 4 : i32
      %mul3A_252 = arith.muli %scan3A_200, %mul3A_251 : i32
      %add3A_253 = arith.constant 1 : i32
      %add3A_254 = arith.addi %mul3A_252, %add3A_253 : i32
      %mul3A_255 = arith.constant 200 : i32
      %mul3A_256 = arith.muli %add3A_254, %mul3A_255 : i32
      %add3A_257 = arith.addi %add3A_24, %mul3A_256 : i32
      %dma_wait3A_258 = arith.constant 1 : i32
      %dma_wait3A_259 = arith.constant 1 : i32
      %dma_wait3A_260 = arith.constant 0 : i32
      %dma_wait3A_261 = arith.constant 0 : i32
      %dma_wait3A_262 = tpu.memref_slice %arg7[%dma_wait3A_258, %dma_wait3A_260, %dma_wait3A_261] : memref<4x200x128xf32, #tpu.memory_space<vmem>> -> memref<1x200x128xf32, #tpu.memory_space<vmem>>
      %dma_wait3A_263 = tpu.memref_squeeze %dma_wait3A_262 : memref<1x200x128xf32, #tpu.memory_space<vmem>> -> memref<200x128xf32, #tpu.memory_space<vmem>>
      %dma_wait3A_264 = tpu.memref_slice %arg2[%add3A_257, %mul3A_20] : memref<100000x1024xf32, #tpu.memory_space<hbm>> -> memref<200x128xf32, #tpu.memory_space<hbm>>
      %dma_wait3A_265 = tpu.memref_slice %arg9[%dma_wait3A_259] : memref<5x!tpu.dma_semaphore, #tpu.memory_space<semaphore_mem>> -> memref<1x!tpu.dma_semaphore, #tpu.memory_space<semaphore_mem>>
      %dma_wait3A_266 = tpu.memref_squeeze %dma_wait3A_265 : memref<1x!tpu.dma_semaphore, #tpu.memory_space<semaphore_mem>> -> memref<!tpu.dma_semaphore, #tpu.memory_space<semaphore_mem>>
      %dma_wait3A_267 = arith.constant 0 : i32
      %dma_wait3A_268 = arith.constant 0 : i32
      %dma_wait3A_269 = tpu.memref_slice %arg7[%dma_wait3A_258, %dma_wait3A_267, %dma_wait3A_268] : memref<4x200x128xf32, #tpu.memory_space<vmem>> -> memref<1x200x128xf32, #tpu.memory_space<vmem>>
      %dma_wait3A_270 = tpu.memref_squeeze %dma_wait3A_269 : memref<1x200x128xf32, #tpu.memory_space<vmem>> -> memref<200x128xf32, #tpu.memory_space<vmem>>
      %dma_wait3A_271 = tpu.memref_slice %arg2[%add3A_257, %mul3A_20] : memref<100000x1024xf32, #tpu.memory_space<hbm>> -> memref<200x128xf32, #tpu.memory_space<hbm>>
      tpu.wait_dma2 semaphore(%dma_wait3A_266 : memref<!tpu.dma_semaphore, #tpu.memory_space<semaphore_mem>>) src(%dma_wait3A_271 : memref<200x128xf32, #tpu.memory_space<hbm>>) dst(%dma_wait3A_270 : memref<200x128xf32, #tpu.memory_space<vmem>>)
      %add3A_272 = arith.constant 4 : i32
      %add3A_273 = arith.addi %add3A_254, %add3A_272 : i32
      %sub3A_274 = arith.constant 1 : i32
      %sub3A_275 = arith.subi %add3A_273, %sub3A_274 : i32
      %lt3A_276 = arith.constant 25 : i32
      %lt3A_277 = arith.cmpi slt, %sub3A_275, %lt3A_276 : i32
      %convert_element_type3A_278 = arith.extui %lt3A_277 : i1 to i32
      %cond3A_279 = arith.constant 0 : i32
      %cond3A_280 = arith.cmpi ne, %convert_element_type3A_278, %cond3A_279 : i32
      scf.if %cond3A_280 {
        %mul3A_362 = arith.constant 200 : i32
        %mul3A_363 = arith.muli %sub3A_275, %mul3A_362 : i32
        %add3A_364 = arith.addi %add3A_24, %mul3A_363 : i32
        %dma_start3A_365 = arith.constant 0 : i32
        %dma_start3A_366 = arith.constant 0 : i32
        %dma_start3A_367 = arith.constant 0 : i32
        %dma_start3A_368 = arith.constant 0 : i32
        %dma_start3A_369 = tpu.memref_slice %arg7[%dma_start3A_365, %dma_start3A_367, %dma_start3A_368] : memref<4x200x128xf32, #tpu.memory_space<vmem>> -> memref<1x200x128xf32, #tpu.memory_space<vmem>>
        %dma_start3A_370 = tpu.memref_squeeze %dma_start3A_369 : memref<1x200x128xf32, #tpu.memory_space<vmem>> -> memref<200x128xf32, #tpu.memory_space<vmem>>
        %dma_start3A_371 = tpu.memref_slice %arg2[%add3A_364, %mul3A_20] : memref<100000x1024xf32, #tpu.memory_space<hbm>> -> memref<200x128xf32, #tpu.memory_space<hbm>>
        %dma_start3A_372 = tpu.memref_slice %arg9[%dma_start3A_366] : memref<5x!tpu.dma_semaphore, #tpu.memory_space<semaphore_mem>> -> memref<1x!tpu.dma_semaphore, #tpu.memory_space<semaphore_mem>>
        %dma_start3A_373 = tpu.memref_squeeze %dma_start3A_372 : memref<1x!tpu.dma_semaphore, #tpu.memory_space<semaphore_mem>> -> memref<!tpu.dma_semaphore, #tpu.memory_space<semaphore_mem>>
        %dma_start3A_374 = arith.constant 0 : i32
        %dma_start3A_375 = arith.constant 0 : i32
        %dma_start3A_376 = tpu.memref_slice %arg7[%dma_start3A_365, %dma_start3A_374, %dma_start3A_375] : memref<4x200x128xf32, #tpu.memory_space<vmem>> -> memref<1x200x128xf32, #tpu.memory_space<vmem>>
        %dma_start3A_377 = tpu.memref_squeeze %dma_start3A_376 : memref<1x200x128xf32, #tpu.memory_space<vmem>> -> memref<200x128xf32, #tpu.memory_space<vmem>>
        %dma_start3A_378 = tpu.memref_slice %arg2[%add3A_364, %mul3A_20] : memref<100000x1024xf32, #tpu.memory_space<hbm>> -> memref<200x128xf32, #tpu.memory_space<hbm>>
        tpu.enqueue_dma source(%dma_start3A_378 : memref<200x128xf32, #tpu.memory_space<hbm>>) target(%dma_start3A_377 : memref<200x128xf32, #tpu.memory_space<vmem>>) target_semaphore(%dma_start3A_373 : memref<!tpu.dma_semaphore, #tpu.memory_space<semaphore_mem>>)
      } else {
      }
      %scan3A_281 = arith.constant 1 : i32
      %scan3A_282 = arith.constant 0 : i32
      %scan3A_283 = arith.constant 200 : i32
      %scan3A_284 = arith.addi %scan3A_282, %scan3A_283 : i32
      %scan3A_285 = arith.constant 1 : i32
      %scan3A_286:16 = scf.for %scan3A_362 = %scan3A_282 to %scan3A_284 step %scan3A_285 iter_args(%scan3A_363 = %scan3A_249#0, %scan3A_364 = %scan3A_249#1, %scan3A_365 = %scan3A_249#2, %scan3A_366 = %scan3A_249#3, %scan3A_367 = %scan3A_249#4, %scan3A_368 = %scan3A_249#5, %scan3A_369 = %scan3A_249#6, %scan3A_370 = %scan3A_249#7, %scan3A_371 = %scan3A_249#8, %scan3A_372 = %scan3A_249#9, %scan3A_373 = %scan3A_249#10, %scan3A_374 = %scan3A_249#11, %scan3A_375 = %scan3A_249#12, %scan3A_376 = %scan3A_249#13, %scan3A_377 = %scan3A_249#14, %scan3A_378 = %scan3A_249#15) -> (vector<16xf32>, vector<16xf32>, vector<16xf32>, vector<16xf32>, vector<16xf32>, vector<16xf32>, vector<16xf32>, vector<16xf32>, vector<16xf32>, vector<16xf32>, vector<16xf32>, vector<16xf32>, vector<16xf32>, vector<16xf32>, vector<16xf32>, vector<16xf32>)  : i32 {
        %mul3A_379 = arith.constant 200 : i32
        %mul3A_380 = arith.muli %add3A_254, %mul3A_379 : i32
        %add3A_381 = arith.addi %add3A_24, %mul3A_380 : i32
        %add3A_382 = arith.addi %add3A_381, %scan3A_362 : i32
        %broadcast_in_dim3A_383 = vector.broadcast %add3A_382 : i32 to vector<16xi32>
        %get3A_384 = arith.constant 0 : i32
        %get3A_385 = arith.constant 0 : i32
        %get3A_386 = tpu.memref_slice %arg7[%scan3A_281, %get3A_384, %get3A_385] : memref<4x200x128xf32, #tpu.memory_space<vmem>> -> memref<1x200x128xf32, #tpu.memory_space<vmem>>
        %get3A_387 = tpu.memref_squeeze %get3A_386 : memref<1x200x128xf32, #tpu.memory_space<vmem>> -> memref<200x128xf32, #tpu.memory_space<vmem>>
        %get3A_388 = arith.index_cast %scan3A_362 : i32 to index
        %get3A_389 = arith.constant 0 : index
        %get3A_390 = tpu.vector_load %get3A_387[%get3A_388, %get3A_389] {strides = array<i32>} : memref<200x128xf32, #tpu.memory_space<vmem>>, vector<16xf32>,
        %eq3A = arith.cmpi eq, %get3A_34, %broadcast_in_dim3A_383 : vector<16xi32>
        %select_n3A_391 = arith.select %eq3A, %broadcast_in_dim3A_33, %get3A_390 : vector<16xi1>, vector<16xf32>
        %max3A = arith.maximumf %scan3A_363, %select_n3A_391 : vector<16xf32>
        %select_n3A_392 = arith.select %eq3A, %get3A_390, %scan3A_371 : vector<16xi1>, vector<16xf32>
        %get3A_393 = arith.constant 0 : i32
        %get3A_394 = arith.constant 0 : i32
        %get3A_395 = tpu.memref_slice %arg7[%scan3A_281, %get3A_393, %get3A_394] : memref<4x200x128xf32, #tpu.memory_space<vmem>> -> memref<1x200x128xf32, #tpu.memory_space<vmem>>
        %get3A_396 = tpu.memref_squeeze %get3A_395 : memref<1x200x128xf32, #tpu.memory_space<vmem>> -> memref<200x128xf32, #tpu.memory_space<vmem>>
        %get3A_397 = arith.index_cast %scan3A_362 : i32 to index
        %get3A_398 = arith.constant 16 : index
        %get3A_399 = tpu.vector_load %get3A_396[%get3A_397, %get3A_398] {strides = array<i32>} : memref<200x128xf32, #tpu.memory_space<vmem>>, vector<16xf32>,
        %eq3A_400 = arith.cmpi eq, %get3A_36, %broadcast_in_dim3A_383 : vector<16xi32>
        %select_n3A_401 = arith.select %eq3A_400, %broadcast_in_dim3A_33, %get3A_399 : vector<16xi1>, vector<16xf32>
        %max3A_402 = arith.maximumf %scan3A_364, %select_n3A_401 : vector<16xf32>
        %select_n3A_403 = arith.select %eq3A_400, %get3A_399, %scan3A_372 : vector<16xi1>, vector<16xf32>
        %get3A_404 = arith.constant 0 : i32
        %get3A_405 = arith.constant 0 : i32
        %get3A_406 = tpu.memref_slice %arg7[%scan3A_281, %get3A_404, %get3A_405] : memref<4x200x128xf32, #tpu.memory_space<vmem>> -> memref<1x200x128xf32, #tpu.memory_space<vmem>>
        %get3A_407 = tpu.memref_squeeze %get3A_406 : memref<1x200x128xf32, #tpu.memory_space<vmem>> -> memref<200x128xf32, #tpu.memory_space<vmem>>
        %get3A_408 = arith.index_cast %scan3A_362 : i32 to index
        %get3A_409 = arith.constant 32 : index
        %get3A_410 = tpu.vector_load %get3A_407[%get3A_408, %get3A_409] {strides = array<i32>} : memref<200x128xf32, #tpu.memory_space<vmem>>, vector<16xf32>,
        %eq3A_411 = arith.cmpi eq, %get3A_38, %broadcast_in_dim3A_383 : vector<16xi32>
        %select_n3A_412 = arith.select %eq3A_411, %broadcast_in_dim3A_33, %get3A_410 : vector<16xi1>, vector<16xf32>
        %max3A_413 = arith.maximumf %scan3A_365, %select_n3A_412 : vector<16xf32>
        %select_n3A_414 = arith.select %eq3A_411, %get3A_410, %scan3A_373 : vector<16xi1>, vector<16xf32>
        %get3A_415 = arith.constant 0 : i32
        %get3A_416 = arith.constant 0 : i32
        %get3A_417 = tpu.memref_slice %arg7[%scan3A_281, %get3A_415, %get3A_416] : memref<4x200x128xf32, #tpu.memory_space<vmem>> -> memref<1x200x128xf32, #tpu.memory_space<vmem>>
        %get3A_418 = tpu.memref_squeeze %get3A_417 : memref<1x200x128xf32, #tpu.memory_space<vmem>> -> memref<200x128xf32, #tpu.memory_space<vmem>>
        %get3A_419 = arith.index_cast %scan3A_362 : i32 to index
        %get3A_420 = arith.constant 48 : index
        %get3A_421 = tpu.vector_load %get3A_418[%get3A_419, %get3A_420] {strides = array<i32>} : memref<200x128xf32, #tpu.memory_space<vmem>>, vector<16xf32>,
        %eq3A_422 = arith.cmpi eq, %get3A_40, %broadcast_in_dim3A_383 : vector<16xi32>
        %select_n3A_423 = arith.select %eq3A_422, %broadcast_in_dim3A_33, %get3A_421 : vector<16xi1>, vector<16xf32>
        %max3A_424 = arith.maximumf %scan3A_366, %select_n3A_423 : vector<16xf32>
        %select_n3A_425 = arith.select %eq3A_422, %get3A_421, %scan3A_374 : vector<16xi1>, vector<16xf32>
        %get3A_426 = arith.constant 0 : i32
        %get3A_427 = arith.constant 0 : i32
        %get3A_428 = tpu.memref_slice %arg7[%scan3A_281, %get3A_426, %get3A_427] : memref<4x200x128xf32, #tpu.memory_space<vmem>> -> memref<1x200x128xf32, #tpu.memory_space<vmem>>
        %get3A_429 = tpu.memref_squeeze %get3A_428 : memref<1x200x128xf32, #tpu.memory_space<vmem>> -> memref<200x128xf32, #tpu.memory_space<vmem>>
        %get3A_430 = arith.index_cast %scan3A_362 : i32 to index
        %get3A_431 = arith.constant 64 : index
        %get3A_432 = tpu.vector_load %get3A_429[%get3A_430, %get3A_431] {strides = array<i32>} : memref<200x128xf32, #tpu.memory_space<vmem>>, vector<16xf32>,
        %eq3A_433 = arith.cmpi eq, %get3A_42, %broadcast_in_dim3A_383 : vector<16xi32>
        %select_n3A_434 = arith.select %eq3A_433, %broadcast_in_dim3A_33, %get3A_432 : vector<16xi1>, vector<16xf32>
        %max3A_435 = arith.maximumf %scan3A_367, %select_n3A_434 : vector<16xf32>
        %select_n3A_436 = arith.select %eq3A_433, %get3A_432, %scan3A_375 : vector<16xi1>, vector<16xf32>
        %get3A_437 = arith.constant 0 : i32
        %get3A_438 = arith.constant 0 : i32
        %get3A_439 = tpu.memref_slice %arg7[%scan3A_281, %get3A_437, %get3A_438] : memref<4x200x128xf32, #tpu.memory_space<vmem>> -> memref<1x200x128xf32, #tpu.memory_space<vmem>>
        %get3A_440 = tpu.memref_squeeze %get3A_439 : memref<1x200x128xf32, #tpu.memory_space<vmem>> -> memref<200x128xf32, #tpu.memory_space<vmem>>
        %get3A_441 = arith.index_cast %scan3A_362 : i32 to index
        %get3A_442 = arith.constant 80 : index
        %get3A_443 = tpu.vector_load %get3A_440[%get3A_441, %get3A_442] {strides = array<i32>} : memref<200x128xf32, #tpu.memory_space<vmem>>, vector<16xf32>,
        %eq3A_444 = arith.cmpi eq, %get3A_44, %broadcast_in_dim3A_383 : vector<16xi32>
        %select_n3A_445 = arith.select %eq3A_444, %broadcast_in_dim3A_33, %get3A_443 : vector<16xi1>, vector<16xf32>
        %max3A_446 = arith.maximumf %scan3A_368, %select_n3A_445 : vector<16xf32>
        %select_n3A_447 = arith.select %eq3A_444, %get3A_443, %scan3A_376 : vector<16xi1>, vector<16xf32>
        %get3A_448 = arith.constant 0 : i32
        %get3A_449 = arith.constant 0 : i32
        %get3A_450 = tpu.memref_slice %arg7[%scan3A_281, %get3A_448, %get3A_449] : memref<4x200x128xf32, #tpu.memory_space<vmem>> -> memref<1x200x128xf32, #tpu.memory_space<vmem>>
        %get3A_451 = tpu.memref_squeeze %get3A_450 : memref<1x200x128xf32, #tpu.memory_space<vmem>> -> memref<200x128xf32, #tpu.memory_space<vmem>>
        %get3A_452 = arith.index_cast %scan3A_362 : i32 to index
        %get3A_453 = arith.constant 96 : index
        %get3A_454 = tpu.vector_load %get3A_451[%get3A_452, %get3A_453] {strides = array<i32>} : memref<200x128xf32, #tpu.memory_space<vmem>>, vector<16xf32>,
        %eq3A_455 = arith.cmpi eq, %get3A_46, %broadcast_in_dim3A_383 : vector<16xi32>
        %select_n3A_456 = arith.select %eq3A_455, %broadcast_in_dim3A_33, %get3A_454 : vector<16xi1>, vector<16xf32>
        %max3A_457 = arith.maximumf %scan3A_369, %select_n3A_456 : vector<16xf32>
        %select_n3A_458 = arith.select %eq3A_455, %get3A_454, %scan3A_377 : vector<16xi1>, vector<16xf32>
        %get3A_459 = arith.constant 0 : i32
        %get3A_460 = arith.constant 0 : i32
        %get3A_461 = tpu.memref_slice %arg7[%scan3A_281, %get3A_459, %get3A_460] : memref<4x200x128xf32, #tpu.memory_space<vmem>> -> memref<1x200x128xf32, #tpu.memory_space<vmem>>
        %get3A_462 = tpu.memref_squeeze %get3A_461 : memref<1x200x128xf32, #tpu.memory_space<vmem>> -> memref<200x128xf32, #tpu.memory_space<vmem>>
        %get3A_463 = arith.index_cast %scan3A_362 : i32 to index
        %get3A_464 = arith.constant 112 : index
        %get3A_465 = tpu.vector_load %get3A_462[%get3A_463, %get3A_464] {strides = array<i32>} : memref<200x128xf32, #tpu.memory_space<vmem>>, vector<16xf32>,
        %eq3A_466 = arith.cmpi eq, %get3A_48, %broadcast_in_dim3A_383 : vector<16xi32>
        %select_n3A_467 = arith.select %eq3A_466, %broadcast_in_dim3A_33, %get3A_465 : vector<16xi1>, vector<16xf32>
        %max3A_468 = arith.maximumf %scan3A_370, %select_n3A_467 : vector<16xf32>
        %select_n3A_469 = arith.select %eq3A_466, %get3A_465, %scan3A_378 : vector<16xi1>, vector<16xf32>
        scf.yield %max3A, %max3A_402, %max3A_413, %max3A_424, %max3A_435, %max3A_446, %max3A_457, %max3A_468, %select_n3A_392, %select_n3A_403, %select_n3A_414, %select_n3A_425, %select_n3A_436, %select_n3A_447, %select_n3A_458, %select_n3A_469 : vector<16xf32>, vector<16xf32>, vector<16xf32>, vector<16xf32>, vector<16xf32>, vector<16xf32>, vector<16xf32>, vector<16xf32>, vector<16xf32>, vector<16xf32>, vector<16xf32>, vector<16xf32>, vector<16xf32>, vector<16xf32>, vector<16xf32>, vector<16xf32>
      }
      %scan3A_287 = arith.constant 200 : i32
      %mul3A_288 = arith.constant 4 : i32
      %mul3A_289 = arith.muli %scan3A_200, %mul3A_288 : i32
      %add3A_290 = arith.constant 2 : i32
      %add3A_291 = arith.addi %mul3A_289, %add3A_290 : i32
      %mul3A_292 = arith.constant 200 : i32
      %mul3A_293 = arith.muli %add3A_291, %mul3A_292 : i32
      %add3A_294 = arith.addi %add3A_24, %mul3A_293 : i32
      %dma_wait3A_295 = arith.constant 2 : i32
      %dma_wait3A_296 = arith.constant 2 : i32
      %dma_wait3A_297 = arith.constant 0 : i32
      %dma_wait3A_298 = arith.constant 0 : i32
      %dma_wait3A_299 = tpu.memref_slice %arg7[%dma_wait3A_295, %dma_wait3A_297, %dma_wait3A_298] : memref<4x200x128xf32, #tpu.memory_space<vmem>> -> memref<1x200x128xf32, #tpu.memory_space<vmem>>
      %dma_wait3A_300 = tpu.memref_squeeze %dma_wait3A_299 : memref<1x200x128xf32, #tpu.memory_space<vmem>> -> memref<200x128xf32, #tpu.memory_space<vmem>>
      %dma_wait3A_301 = tpu.memref_slice %arg2[%add3A_294, %mul3A_20] : memref<100000x1024xf32, #tpu.memory_space<hbm>> -> memref<200x128xf32, #tpu.memory_space<hbm>>
      %dma_wait3A_302 = tpu.memref_slice %arg9[%dma_wait3A_296] : memref<5x!tpu.dma_semaphore, #tpu.memory_space<semaphore_mem>> -> memref<1x!tpu.dma_semaphore, #tpu.memory_space<semaphore_mem>>
      %dma_wait3A_303 = tpu.memref_squeeze %dma_wait3A_302 : memref<1x!tpu.dma_semaphore, #tpu.memory_space<semaphore_mem>> -> memref<!tpu.dma_semaphore, #tpu.memory_space<semaphore_mem>>
      %dma_wait3A_304 = arith.constant 0 : i32
      %dma_wait3A_305 = arith.constant 0 : i32
      %dma_wait3A_306 = tpu.memref_slice %arg7[%dma_wait3A_295, %dma_wait3A_304, %dma_wait3A_305] : memref<4x200x128xf32, #tpu.memory_space<vmem>> -> memref<1x200x128xf32, #tpu.memory_space<vmem>>
      %dma_wait3A_307 = tpu.memref_squeeze %dma_wait3A_306 : memref<1x200x128xf32, #tpu.memory_space<vmem>> -> memref<200x128xf32, #tpu.memory_space<vmem>>
      %dma_wait3A_308 = tpu.memref_slice %arg2[%add3A_294, %mul3A_20] : memref<100000x1024xf32, #tpu.memory_space<hbm>> -> memref<200x128xf32, #tpu.memory_space<hbm>>
      tpu.wait_dma2 semaphore(%dma_wait3A_303 : memref<!tpu.dma_semaphore, #tpu.memory_space<semaphore_mem>>) src(%dma_wait3A_308 : memref<200x128xf32, #tpu.memory_space<hbm>>) dst(%dma_wait3A_307 : memref<200x128xf32, #tpu.memory_space<vmem>>)
      %add3A_309 = arith.constant 4 : i32
      %add3A_310 = arith.addi %add3A_291, %add3A_309 : i32
      %sub3A_311 = arith.constant 1 : i32
      %sub3A_312 = arith.subi %add3A_310, %sub3A_311 : i32
      %lt3A_313 = arith.constant 25 : i32
      %lt3A_314 = arith.cmpi slt, %sub3A_312, %lt3A_313 : i32
      %convert_element_type3A_315 = arith.extui %lt3A_314 : i1 to i32
      %cond3A_316 = arith.constant 0 : i32
      %cond3A_317 = arith.cmpi ne, %convert_element_type3A_315, %cond3A_316 : i32
      scf.if %cond3A_317 {
        %mul3A_362 = arith.constant 200 : i32
        %mul3A_363 = arith.muli %sub3A_312, %mul3A_362 : i32
        %add3A_364 = arith.addi %add3A_24, %mul3A_363 : i32
        %dma_start3A_365 = arith.constant 1 : i32
        %dma_start3A_366 = arith.constant 1 : i32
        %dma_start3A_367 = arith.constant 0 : i32
        %dma_start3A_368 = arith.constant 0 : i32
        %dma_start3A_369 = tpu.memref_slice %arg7[%dma_start3A_365, %dma_start3A_367, %dma_start3A_368] : memref<4x200x128xf32, #tpu.memory_space<vmem>> -> memref<1x200x128xf32, #tpu.memory_space<vmem>>
        %dma_start3A_370 = tpu.memref_squeeze %dma_start3A_369 : memref<1x200x128xf32, #tpu.memory_space<vmem>> -> memref<200x128xf32, #tpu.memory_space<vmem>>
        %dma_start3A_371 = tpu.memref_slice %arg2[%add3A_364, %mul3A_20] : memref<100000x1024xf32, #tpu.memory_space<hbm>> -> memref<200x128xf32, #tpu.memory_space<hbm>>
        %dma_start3A_372 = tpu.memref_slice %arg9[%dma_start3A_366] : memref<5x!tpu.dma_semaphore, #tpu.memory_space<semaphore_mem>> -> memref<1x!tpu.dma_semaphore, #tpu.memory_space<semaphore_mem>>
        %dma_start3A_373 = tpu.memref_squeeze %dma_start3A_372 : memref<1x!tpu.dma_semaphore, #tpu.memory_space<semaphore_mem>> -> memref<!tpu.dma_semaphore, #tpu.memory_space<semaphore_mem>>
        %dma_start3A_374 = arith.constant 0 : i32
        %dma_start3A_375 = arith.constant 0 : i32
        %dma_start3A_376 = tpu.memref_slice %arg7[%dma_start3A_365, %dma_start3A_374, %dma_start3A_375] : memref<4x200x128xf32, #tpu.memory_space<vmem>> -> memref<1x200x128xf32, #tpu.memory_space<vmem>>
        %dma_start3A_377 = tpu.memref_squeeze %dma_start3A_376 : memref<1x200x128xf32, #tpu.memory_space<vmem>> -> memref<200x128xf32, #tpu.memory_space<vmem>>
        %dma_start3A_378 = tpu.memref_slice %arg2[%add3A_364, %mul3A_20] : memref<100000x1024xf32, #tpu.memory_space<hbm>> -> memref<200x128xf32, #tpu.memory_space<hbm>>
        tpu.enqueue_dma source(%dma_start3A_378 : memref<200x128xf32, #tpu.memory_space<hbm>>) target(%dma_start3A_377 : memref<200x128xf32, #tpu.memory_space<vmem>>) target_semaphore(%dma_start3A_373 : memref<!tpu.dma_semaphore, #tpu.memory_space<semaphore_mem>>)
      } else {
      }
      %scan3A_318 = arith.constant 2 : i32
      %scan3A_319 = arith.constant 0 : i32
      %scan3A_320 = arith.constant 200 : i32
      %scan3A_321 = arith.addi %scan3A_319, %scan3A_320 : i32
      %scan3A_322 = arith.constant 1 : i32
      %scan3A_323:16 = scf.for %scan3A_362 = %scan3A_319 to %scan3A_321 step %scan3A_322 iter_args(%scan3A_363 = %scan3A_286#0, %scan3A_364 = %scan3A_286#1, %scan3A_365 = %scan3A_286#2, %scan3A_366 = %scan3A_286#3, %scan3A_367 = %scan3A_286#4, %scan3A_368 = %scan3A_286#5, %scan3A_369 = %scan3A_286#6, %scan3A_370 = %scan3A_286#7, %scan3A_371 = %scan3A_286#8, %scan3A_372 = %scan3A_286#9, %scan3A_373 = %scan3A_286#10, %scan3A_374 = %scan3A_286#11, %scan3A_375 = %scan3A_286#12, %scan3A_376 = %scan3A_286#13, %scan3A_377 = %scan3A_286#14, %scan3A_378 = %scan3A_286#15) -> (vector<16xf32>, vector<16xf32>, vector<16xf32>, vector<16xf32>, vector<16xf32>, vector<16xf32>, vector<16xf32>, vector<16xf32>, vector<16xf32>, vector<16xf32>, vector<16xf32>, vector<16xf32>, vector<16xf32>, vector<16xf32>, vector<16xf32>, vector<16xf32>)  : i32 {
        %mul3A_379 = arith.constant 200 : i32
        %mul3A_380 = arith.muli %add3A_291, %mul3A_379 : i32
        %add3A_381 = arith.addi %add3A_24, %mul3A_380 : i32
        %add3A_382 = arith.addi %add3A_381, %scan3A_362 : i32
        %broadcast_in_dim3A_383 = vector.broadcast %add3A_382 : i32 to vector<16xi32>
        %get3A_384 = arith.constant 0 : i32
        %get3A_385 = arith.constant 0 : i32
        %get3A_386 = tpu.memref_slice %arg7[%scan3A_318, %get3A_384, %get3A_385] : memref<4x200x128xf32, #tpu.memory_space<vmem>> -> memref<1x200x128xf32, #tpu.memory_space<vmem>>
        %get3A_387 = tpu.memref_squeeze %get3A_386 : memref<1x200x128xf32, #tpu.memory_space<vmem>> -> memref<200x128xf32, #tpu.memory_space<vmem>>
        %get3A_388 = arith.index_cast %scan3A_362 : i32 to index
        %get3A_389 = arith.constant 0 : index
        %get3A_390 = tpu.vector_load %get3A_387[%get3A_388, %get3A_389] {strides = array<i32>} : memref<200x128xf32, #tpu.memory_space<vmem>>, vector<16xf32>,
        %eq3A = arith.cmpi eq, %get3A_34, %broadcast_in_dim3A_383 : vector<16xi32>
        %select_n3A_391 = arith.select %eq3A, %broadcast_in_dim3A_33, %get3A_390 : vector<16xi1>, vector<16xf32>
        %max3A = arith.maximumf %scan3A_363, %select_n3A_391 : vector<16xf32>
        %select_n3A_392 = arith.select %eq3A, %get3A_390, %scan3A_371 : vector<16xi1>, vector<16xf32>
        %get3A_393 = arith.constant 0 : i32
        %get3A_394 = arith.constant 0 : i32
        %get3A_395 = tpu.memref_slice %arg7[%scan3A_318, %get3A_393, %get3A_394] : memref<4x200x128xf32, #tpu.memory_space<vmem>> -> memref<1x200x128xf32, #tpu.memory_space<vmem>>
        %get3A_396 = tpu.memref_squeeze %get3A_395 : memref<1x200x128xf32, #tpu.memory_space<vmem>> -> memref<200x128xf32, #tpu.memory_space<vmem>>
        %get3A_397 = arith.index_cast %scan3A_362 : i32 to index
        %get3A_398 = arith.constant 16 : index
        %get3A_399 = tpu.vector_load %get3A_396[%get3A_397, %get3A_398] {strides = array<i32>} : memref<200x128xf32, #tpu.memory_space<vmem>>, vector<16xf32>,
        %eq3A_400 = arith.cmpi eq, %get3A_36, %broadcast_in_dim3A_383 : vector<16xi32>
        %select_n3A_401 = arith.select %eq3A_400, %broadcast_in_dim3A_33, %get3A_399 : vector<16xi1>, vector<16xf32>
        %max3A_402 = arith.maximumf %scan3A_364, %select_n3A_401 : vector<16xf32>
        %select_n3A_403 = arith.select %eq3A_400, %get3A_399, %scan3A_372 : vector<16xi1>, vector<16xf32>
        %get3A_404 = arith.constant 0 : i32
        %get3A_405 = arith.constant 0 : i32
        %get3A_406 = tpu.memref_slice %arg7[%scan3A_318, %get3A_404, %get3A_405] : memref<4x200x128xf32, #tpu.memory_space<vmem>> -> memref<1x200x128xf32, #tpu.memory_space<vmem>>
        %get3A_407 = tpu.memref_squeeze %get3A_406 : memref<1x200x128xf32, #tpu.memory_space<vmem>> -> memref<200x128xf32, #tpu.memory_space<vmem>>
        %get3A_408 = arith.index_cast %scan3A_362 : i32 to index
        %get3A_409 = arith.constant 32 : index
        %get3A_410 = tpu.vector_load %get3A_407[%get3A_408, %get3A_409] {strides = array<i32>} : memref<200x128xf32, #tpu.memory_space<vmem>>, vector<16xf32>,
        %eq3A_411 = arith.cmpi eq, %get3A_38, %broadcast_in_dim3A_383 : vector<16xi32>
        %select_n3A_412 = arith.select %eq3A_411, %broadcast_in_dim3A_33, %get3A_410 : vector<16xi1>, vector<16xf32>
        %max3A_413 = arith.maximumf %scan3A_365, %select_n3A_412 : vector<16xf32>
        %select_n3A_414 = arith.select %eq3A_411, %get3A_410, %scan3A_373 : vector<16xi1>, vector<16xf32>
        %get3A_415 = arith.constant 0 : i32
        %get3A_416 = arith.constant 0 : i32
        %get3A_417 = tpu.memref_slice %arg7[%scan3A_318, %get3A_415, %get3A_416] : memref<4x200x128xf32, #tpu.memory_space<vmem>> -> memref<1x200x128xf32, #tpu.memory_space<vmem>>
        %get3A_418 = tpu.memref_squeeze %get3A_417 : memref<1x200x128xf32, #tpu.memory_space<vmem>> -> memref<200x128xf32, #tpu.memory_space<vmem>>
        %get3A_419 = arith.index_cast %scan3A_362 : i32 to index
        %get3A_420 = arith.constant 48 : index
        %get3A_421 = tpu.vector_load %get3A_418[%get3A_419, %get3A_420] {strides = array<i32>} : memref<200x128xf32, #tpu.memory_space<vmem>>, vector<16xf32>,
        %eq3A_422 = arith.cmpi eq, %get3A_40, %broadcast_in_dim3A_383 : vector<16xi32>
        %select_n3A_423 = arith.select %eq3A_422, %broadcast_in_dim3A_33, %get3A_421 : vector<16xi1>, vector<16xf32>
        %max3A_424 = arith.maximumf %scan3A_366, %select_n3A_423 : vector<16xf32>
        %select_n3A_425 = arith.select %eq3A_422, %get3A_421, %scan3A_374 : vector<16xi1>, vector<16xf32>
        %get3A_426 = arith.constant 0 : i32
        %get3A_427 = arith.constant 0 : i32
        %get3A_428 = tpu.memref_slice %arg7[%scan3A_318, %get3A_426, %get3A_427] : memref<4x200x128xf32, #tpu.memory_space<vmem>> -> memref<1x200x128xf32, #tpu.memory_space<vmem>>
        %get3A_429 = tpu.memref_squeeze %get3A_428 : memref<1x200x128xf32, #tpu.memory_space<vmem>> -> memref<200x128xf32, #tpu.memory_space<vmem>>
        %get3A_430 = arith.index_cast %scan3A_362 : i32 to index
        %get3A_431 = arith.constant 64 : index
        %get3A_432 = tpu.vector_load %get3A_429[%get3A_430, %get3A_431] {strides = array<i32>} : memref<200x128xf32, #tpu.memory_space<vmem>>, vector<16xf32>,
        %eq3A_433 = arith.cmpi eq, %get3A_42, %broadcast_in_dim3A_383 : vector<16xi32>
        %select_n3A_434 = arith.select %eq3A_433, %broadcast_in_dim3A_33, %get3A_432 : vector<16xi1>, vector<16xf32>
        %max3A_435 = arith.maximumf %scan3A_367, %select_n3A_434 : vector<16xf32>
        %select_n3A_436 = arith.select %eq3A_433, %get3A_432, %scan3A_375 : vector<16xi1>, vector<16xf32>
        %get3A_437 = arith.constant 0 : i32
        %get3A_438 = arith.constant 0 : i32
        %get3A_439 = tpu.memref_slice %arg7[%scan3A_318, %get3A_437, %get3A_438] : memref<4x200x128xf32, #tpu.memory_space<vmem>> -> memref<1x200x128xf32, #tpu.memory_space<vmem>>
        %get3A_440 = tpu.memref_squeeze %get3A_439 : memref<1x200x128xf32, #tpu.memory_space<vmem>> -> memref<200x128xf32, #tpu.memory_space<vmem>>
        %get3A_441 = arith.index_cast %scan3A_362 : i32 to index
        %get3A_442 = arith.constant 80 : index
        %get3A_443 = tpu.vector_load %get3A_440[%get3A_441, %get3A_442] {strides = array<i32>} : memref<200x128xf32, #tpu.memory_space<vmem>>, vector<16xf32>,
        %eq3A_444 = arith.cmpi eq, %get3A_44, %broadcast_in_dim3A_383 : vector<16xi32>
        %select_n3A_445 = arith.select %eq3A_444, %broadcast_in_dim3A_33, %get3A_443 : vector<16xi1>, vector<16xf32>
        %max3A_446 = arith.maximumf %scan3A_368, %select_n3A_445 : vector<16xf32>
        %select_n3A_447 = arith.select %eq3A_444, %get3A_443, %scan3A_376 : vector<16xi1>, vector<16xf32>
        %get3A_448 = arith.constant 0 : i32
        %get3A_449 = arith.constant 0 : i32
        %get3A_450 = tpu.memref_slice %arg7[%scan3A_318, %get3A_448, %get3A_449] : memref<4x200x128xf32, #tpu.memory_space<vmem>> -> memref<1x200x128xf32, #tpu.memory_space<vmem>>
        %get3A_451 = tpu.memref_squeeze %get3A_450 : memref<1x200x128xf32, #tpu.memory_space<vmem>> -> memref<200x128xf32, #tpu.memory_space<vmem>>
        %get3A_452 = arith.index_cast %scan3A_362 : i32 to index
        %get3A_453 = arith.constant 96 : index
        %get3A_454 = tpu.vector_load %get3A_451[%get3A_452, %get3A_453] {strides = array<i32>} : memref<200x128xf32, #tpu.memory_space<vmem>>, vector<16xf32>,
        %eq3A_455 = arith.cmpi eq, %get3A_46, %broadcast_in_dim3A_383 : vector<16xi32>
        %select_n3A_456 = arith.select %eq3A_455, %broadcast_in_dim3A_33, %get3A_454 : vector<16xi1>, vector<16xf32>
        %max3A_457 = arith.maximumf %scan3A_369, %select_n3A_456 : vector<16xf32>
        %select_n3A_458 = arith.select %eq3A_455, %get3A_454, %scan3A_377 : vector<16xi1>, vector<16xf32>
        %get3A_459 = arith.constant 0 : i32
        %get3A_460 = arith.constant 0 : i32
        %get3A_461 = tpu.memref_slice %arg7[%scan3A_318, %get3A_459, %get3A_460] : memref<4x200x128xf32, #tpu.memory_space<vmem>> -> memref<1x200x128xf32, #tpu.memory_space<vmem>>
        %get3A_462 = tpu.memref_squeeze %get3A_461 : memref<1x200x128xf32, #tpu.memory_space<vmem>> -> memref<200x128xf32, #tpu.memory_space<vmem>>
        %get3A_463 = arith.index_cast %scan3A_362 : i32 to index
        %get3A_464 = arith.constant 112 : index
        %get3A_465 = tpu.vector_load %get3A_462[%get3A_463, %get3A_464] {strides = array<i32>} : memref<200x128xf32, #tpu.memory_space<vmem>>, vector<16xf32>,
        %eq3A_466 = arith.cmpi eq, %get3A_48, %broadcast_in_dim3A_383 : vector<16xi32>
        %select_n3A_467 = arith.select %eq3A_466, %broadcast_in_dim3A_33, %get3A_465 : vector<16xi1>, vector<16xf32>
        %max3A_468 = arith.maximumf %scan3A_370, %select_n3A_467 : vector<16xf32>
        %select_n3A_469 = arith.select %eq3A_466, %get3A_465, %scan3A_378 : vector<16xi1>, vector<16xf32>
        scf.yield %max3A, %max3A_402, %max3A_413, %max3A_424, %max3A_435, %max3A_446, %max3A_457, %max3A_468, %select_n3A_392, %select_n3A_403, %select_n3A_414, %select_n3A_425, %select_n3A_436, %select_n3A_447, %select_n3A_458, %select_n3A_469 : vector<16xf32>, vector<16xf32>, vector<16xf32>, vector<16xf32>, vector<16xf32>, vector<16xf32>, vector<16xf32>, vector<16xf32>, vector<16xf32>, vector<16xf32>, vector<16xf32>, vector<16xf32>, vector<16xf32>, vector<16xf32>, vector<16xf32>, vector<16xf32>
      }
      %scan3A_324 = arith.constant 200 : i32
      %mul3A_325 = arith.constant 4 : i32
      %mul3A_326 = arith.muli %scan3A_200, %mul3A_325 : i32
      %add3A_327 = arith.constant 3 : i32
      %add3A_328 = arith.addi %mul3A_326, %add3A_327 : i32
      %mul3A_329 = arith.constant 200 : i32
      %mul3A_330 = arith.muli %add3A_328, %mul3A_329 : i32
      %add3A_331 = arith.addi %add3A_24, %mul3A_330 : i32
      %dma_wait3A_332 = arith.constant 3 : i32
      %dma_wait3A_333 = arith.constant 3 : i32
      %dma_wait3A_334 = arith.constant 0 : i32
      %dma_wait3A_335 = arith.constant 0 : i32
      %dma_wait3A_336 = tpu.memref_slice %arg7[%dma_wait3A_332, %dma_wait3A_334, %dma_wait3A_335] : memref<4x200x128xf32, #tpu.memory_space<vmem>> -> memref<1x200x128xf32, #tpu.memory_space<vmem>>
      %dma_wait3A_337 = tpu.memref_squeeze %dma_wait3A_336 : memref<1x200x128xf32, #tpu.memory_space<vmem>> -> memref<200x128xf32, #tpu.memory_space<vmem>>
      %dma_wait3A_338 = tpu.memref_slice %arg2[%add3A_331, %mul3A_20] : memref<100000x1024xf32, #tpu.memory_space<hbm>> -> memref<200x128xf32, #tpu.memory_space<hbm>>
      %dma_wait3A_339 = tpu.memref_slice %arg9[%dma_wait3A_333] : memref<5x!tpu.dma_semaphore, #tpu.memory_space<semaphore_mem>> -> memref<1x!tpu.dma_semaphore, #tpu.memory_space<semaphore_mem>>
      %dma_wait3A_340 = tpu.memref_squeeze %dma_wait3A_339 : memref<1x!tpu.dma_semaphore, #tpu.memory_space<semaphore_mem>> -> memref<!tpu.dma_semaphore, #tpu.memory_space<semaphore_mem>>
      %dma_wait3A_341 = arith.constant 0 : i32
      %dma_wait3A_342 = arith.constant 0 : i32
      %dma_wait3A_343 = tpu.memref_slice %arg7[%dma_wait3A_332, %dma_wait3A_341, %dma_wait3A_342] : memref<4x200x128xf32, #tpu.memory_space<vmem>> -> memref<1x200x128xf32, #tpu.memory_space<vmem>>
      %dma_wait3A_344 = tpu.memref_squeeze %dma_wait3A_343 : memref<1x200x128xf32, #tpu.memory_space<vmem>> -> memref<200x128xf32, #tpu.memory_space<vmem>>
      %dma_wait3A_345 = tpu.memref_slice %arg2[%add3A_331, %mul3A_20] : memref<100000x1024xf32, #tpu.memory_space<hbm>> -> memref<200x128xf32, #tpu.memory_space<hbm>>
      tpu.wait_dma2 semaphore(%dma_wait3A_340 : memref<!tpu.dma_semaphore, #tpu.memory_space<semaphore_mem>>) src(%dma_wait3A_345 : memref<200x128xf32, #tpu.memory_space<hbm>>) dst(%dma_wait3A_344 : memref<200x128xf32, #tpu.memory_space<vmem>>)
      %add3A_346 = arith.constant 4 : i32
      %add3A_347 = arith.addi %add3A_328, %add3A_346 : i32
      %sub3A_348 = arith.constant 1 : i32
      %sub3A_349 = arith.subi %add3A_347, %sub3A_348 : i32
      %lt3A_350 = arith.constant 25 : i32
      %lt3A_351 = arith.cmpi slt, %sub3A_349, %lt3A_350 : i32
      %convert_element_type3A_352 = arith.extui %lt3A_351 : i1 to i32
      %cond3A_353 = arith.constant 0 : i32
      %cond3A_354 = arith.cmpi ne, %convert_element_type3A_352, %cond3A_353 : i32
      scf.if %cond3A_354 {
        %mul3A_362 = arith.constant 200 : i32
        %mul3A_363 = arith.muli %sub3A_349, %mul3A_362 : i32
        %add3A_364 = arith.addi %add3A_24, %mul3A_363 : i32
        %dma_start3A_365 = arith.constant 2 : i32
        %dma_start3A_366 = arith.constant 2 : i32
        %dma_start3A_367 = arith.constant 0 : i32
        %dma_start3A_368 = arith.constant 0 : i32
        %dma_start3A_369 = tpu.memref_slice %arg7[%dma_start3A_365, %dma_start3A_367, %dma_start3A_368] : memref<4x200x128xf32, #tpu.memory_space<vmem>> -> memref<1x200x128xf32, #tpu.memory_space<vmem>>
        %dma_start3A_370 = tpu.memref_squeeze %dma_start3A_369 : memref<1x200x128xf32, #tpu.memory_space<vmem>> -> memref<200x128xf32, #tpu.memory_space<vmem>>
        %dma_start3A_371 = tpu.memref_slice %arg2[%add3A_364, %mul3A_20] : memref<100000x1024xf32, #tpu.memory_space<hbm>> -> memref<200x128xf32, #tpu.memory_space<hbm>>
        %dma_start3A_372 = tpu.memref_slice %arg9[%dma_start3A_366] : memref<5x!tpu.dma_semaphore, #tpu.memory_space<semaphore_mem>> -> memref<1x!tpu.dma_semaphore, #tpu.memory_space<semaphore_mem>>
        %dma_start3A_373 = tpu.memref_squeeze %dma_start3A_372 : memref<1x!tpu.dma_semaphore, #tpu.memory_space<semaphore_mem>> -> memref<!tpu.dma_semaphore, #tpu.memory_space<semaphore_mem>>
        %dma_start3A_374 = arith.constant 0 : i32
        %dma_start3A_375 = arith.constant 0 : i32
        %dma_start3A_376 = tpu.memref_slice %arg7[%dma_start3A_365, %dma_start3A_374, %dma_start3A_375] : memref<4x200x128xf32, #tpu.memory_space<vmem>> -> memref<1x200x128xf32, #tpu.memory_space<vmem>>
        %dma_start3A_377 = tpu.memref_squeeze %dma_start3A_376 : memref<1x200x128xf32, #tpu.memory_space<vmem>> -> memref<200x128xf32, #tpu.memory_space<vmem>>
        %dma_start3A_378 = tpu.memref_slice %arg2[%add3A_364, %mul3A_20] : memref<100000x1024xf32, #tpu.memory_space<hbm>> -> memref<200x128xf32, #tpu.memory_space<hbm>>
        tpu.enqueue_dma source(%dma_start3A_378 : memref<200x128xf32, #tpu.memory_space<hbm>>) target(%dma_start3A_377 : memref<200x128xf32, #tpu.memory_space<vmem>>) target_semaphore(%dma_start3A_373 : memref<!tpu.dma_semaphore, #tpu.memory_space<semaphore_mem>>)
      } else {
      }
      %scan3A_355 = arith.constant 3 : i32
      %scan3A_356 = arith.constant 0 : i32
      %scan3A_357 = arith.constant 200 : i32
      %scan3A_358 = arith.addi %scan3A_356, %scan3A_357 : i32
      %scan3A_359 = arith.constant 1 : i32
      %scan3A_360:16 = scf.for %scan3A_362 = %scan3A_356 to %scan3A_358 step %scan3A_359 iter_args(%scan3A_363 = %scan3A_323#0, %scan3A_364 = %scan3A_323#1, %scan3A_365 = %scan3A_323#2, %scan3A_366 = %scan3A_323#3, %scan3A_367 = %scan3A_323#4, %scan3A_368 = %scan3A_323#5, %scan3A_369 = %scan3A_323#6, %scan3A_370 = %scan3A_323#7, %scan3A_371 = %scan3A_323#8, %scan3A_372 = %scan3A_323#9, %scan3A_373 = %scan3A_323#10, %scan3A_374 = %scan3A_323#11, %scan3A_375 = %scan3A_323#12, %scan3A_376 = %scan3A_323#13, %scan3A_377 = %scan3A_323#14, %scan3A_378 = %scan3A_323#15) -> (vector<16xf32>, vector<16xf32>, vector<16xf32>, vector<16xf32>, vector<16xf32>, vector<16xf32>, vector<16xf32>, vector<16xf32>, vector<16xf32>, vector<16xf32>, vector<16xf32>, vector<16xf32>, vector<16xf32>, vector<16xf32>, vector<16xf32>, vector<16xf32>)  : i32 {
        %mul3A_379 = arith.constant 200 : i32
        %mul3A_380 = arith.muli %add3A_328, %mul3A_379 : i32
        %add3A_381 = arith.addi %add3A_24, %mul3A_380 : i32
        %add3A_382 = arith.addi %add3A_381, %scan3A_362 : i32
        %broadcast_in_dim3A_383 = vector.broadcast %add3A_382 : i32 to vector<16xi32>
        %get3A_384 = arith.constant 0 : i32
        %get3A_385 = arith.constant 0 : i32
        %get3A_386 = tpu.memref_slice %arg7[%scan3A_355, %get3A_384, %get3A_385] : memref<4x200x128xf32, #tpu.memory_space<vmem>> -> memref<1x200x128xf32, #tpu.memory_space<vmem>>
        %get3A_387 = tpu.memref_squeeze %get3A_386 : memref<1x200x128xf32, #tpu.memory_space<vmem>> -> memref<200x128xf32, #tpu.memory_space<vmem>>
        %get3A_388 = arith.index_cast %scan3A_362 : i32 to index
        %get3A_389 = arith.constant 0 : index
        %get3A_390 = tpu.vector_load %get3A_387[%get3A_388, %get3A_389] {strides = array<i32>} : memref<200x128xf32, #tpu.memory_space<vmem>>, vector<16xf32>,
        %eq3A = arith.cmpi eq, %get3A_34, %broadcast_in_dim3A_383 : vector<16xi32>
        %select_n3A_391 = arith.select %eq3A, %broadcast_in_dim3A_33, %get3A_390 : vector<16xi1>, vector<16xf32>
        %max3A = arith.maximumf %scan3A_363, %select_n3A_391 : vector<16xf32>
        %select_n3A_392 = arith.select %eq3A, %get3A_390, %scan3A_371 : vector<16xi1>, vector<16xf32>
        %get3A_393 = arith.constant 0 : i32
        %get3A_394 = arith.constant 0 : i32
        %get3A_395 = tpu.memref_slice %arg7[%scan3A_355, %get3A_393, %get3A_394] : memref<4x200x128xf32, #tpu.memory_space<vmem>> -> memref<1x200x128xf32, #tpu.memory_space<vmem>>
        %get3A_396 = tpu.memref_squeeze %get3A_395 : memref<1x200x128xf32, #tpu.memory_space<vmem>> -> memref<200x128xf32, #tpu.memory_space<vmem>>
        %get3A_397 = arith.index_cast %scan3A_362 : i32 to index
        %get3A_398 = arith.constant 16 : index
        %get3A_399 = tpu.vector_load %get3A_396[%get3A_397, %get3A_398] {strides = array<i32>} : memref<200x128xf32, #tpu.memory_space<vmem>>, vector<16xf32>,
        %eq3A_400 = arith.cmpi eq, %get3A_36, %broadcast_in_dim3A_383 : vector<16xi32>
        %select_n3A_401 = arith.select %eq3A_400, %broadcast_in_dim3A_33, %get3A_399 : vector<16xi1>, vector<16xf32>
        %max3A_402 = arith.maximumf %scan3A_364, %select_n3A_401 : vector<16xf32>
        %select_n3A_403 = arith.select %eq3A_400, %get3A_399, %scan3A_372 : vector<16xi1>, vector<16xf32>
        %get3A_404 = arith.constant 0 : i32
        %get3A_405 = arith.constant 0 : i32
        %get3A_406 = tpu.memref_slice %arg7[%scan3A_355, %get3A_404, %get3A_405] : memref<4x200x128xf32, #tpu.memory_space<vmem>> -> memref<1x200x128xf32, #tpu.memory_space<vmem>>
        %get3A_407 = tpu.memref_squeeze %get3A_406 : memref<1x200x128xf32, #tpu.memory_space<vmem>> -> memref<200x128xf32, #tpu.memory_space<vmem>>
        %get3A_408 = arith.index_cast %scan3A_362 : i32 to index
        %get3A_409 = arith.constant 32 : index
        %get3A_410 = tpu.vector_load %get3A_407[%get3A_408, %get3A_409] {strides = array<i32>} : memref<200x128xf32, #tpu.memory_space<vmem>>, vector<16xf32>,
        %eq3A_411 = arith.cmpi eq, %get3A_38, %broadcast_in_dim3A_383 : vector<16xi32>
        %select_n3A_412 = arith.select %eq3A_411, %broadcast_in_dim3A_33, %get3A_410 : vector<16xi1>, vector<16xf32>
        %max3A_413 = arith.maximumf %scan3A_365, %select_n3A_412 : vector<16xf32>
        %select_n3A_414 = arith.select %eq3A_411, %get3A_410, %scan3A_373 : vector<16xi1>, vector<16xf32>
        %get3A_415 = arith.constant 0 : i32
        %get3A_416 = arith.constant 0 : i32
        %get3A_417 = tpu.memref_slice %arg7[%scan3A_355, %get3A_415, %get3A_416] : memref<4x200x128xf32, #tpu.memory_space<vmem>> -> memref<1x200x128xf32, #tpu.memory_space<vmem>>
        %get3A_418 = tpu.memref_squeeze %get3A_417 : memref<1x200x128xf32, #tpu.memory_space<vmem>> -> memref<200x128xf32, #tpu.memory_space<vmem>>
        %get3A_419 = arith.index_cast %scan3A_362 : i32 to index
        %get3A_420 = arith.constant 48 : index
        %get3A_421 = tpu.vector_load %get3A_418[%get3A_419, %get3A_420] {strides = array<i32>} : memref<200x128xf32, #tpu.memory_space<vmem>>, vector<16xf32>,
        %eq3A_422 = arith.cmpi eq, %get3A_40, %broadcast_in_dim3A_383 : vector<16xi32>
        %select_n3A_423 = arith.select %eq3A_422, %broadcast_in_dim3A_33, %get3A_421 : vector<16xi1>, vector<16xf32>
        %max3A_424 = arith.maximumf %scan3A_366, %select_n3A_423 : vector<16xf32>
        %select_n3A_425 = arith.select %eq3A_422, %get3A_421, %scan3A_374 : vector<16xi1>, vector<16xf32>
        %get3A_426 = arith.constant 0 : i32
        %get3A_427 = arith.constant 0 : i32
        %get3A_428 = tpu.memref_slice %arg7[%scan3A_355, %get3A_426, %get3A_427] : memref<4x200x128xf32, #tpu.memory_space<vmem>> -> memref<1x200x128xf32, #tpu.memory_space<vmem>>
        %get3A_429 = tpu.memref_squeeze %get3A_428 : memref<1x200x128xf32, #tpu.memory_space<vmem>> -> memref<200x128xf32, #tpu.memory_space<vmem>>
        %get3A_430 = arith.index_cast %scan3A_362 : i32 to index
        %get3A_431 = arith.constant 64 : index
        %get3A_432 = tpu.vector_load %get3A_429[%get3A_430, %get3A_431] {strides = array<i32>} : memref<200x128xf32, #tpu.memory_space<vmem>>, vector<16xf32>,
        %eq3A_433 = arith.cmpi eq, %get3A_42, %broadcast_in_dim3A_383 : vector<16xi32>
        %select_n3A_434 = arith.select %eq3A_433, %broadcast_in_dim3A_33, %get3A_432 : vector<16xi1>, vector<16xf32>
        %max3A_435 = arith.maximumf %scan3A_367, %select_n3A_434 : vector<16xf32>
        %select_n3A_436 = arith.select %eq3A_433, %get3A_432, %scan3A_375 : vector<16xi1>, vector<16xf32>
        %get3A_437 = arith.constant 0 : i32
        %get3A_438 = arith.constant 0 : i32
        %get3A_439 = tpu.memref_slice %arg7[%scan3A_355, %get3A_437, %get3A_438] : memref<4x200x128xf32, #tpu.memory_space<vmem>> -> memref<1x200x128xf32, #tpu.memory_space<vmem>>
        %get3A_440 = tpu.memref_squeeze %get3A_439 : memref<1x200x128xf32, #tpu.memory_space<vmem>> -> memref<200x128xf32, #tpu.memory_space<vmem>>
        %get3A_441 = arith.index_cast %scan3A_362 : i32 to index
        %get3A_442 = arith.constant 80 : index
        %get3A_443 = tpu.vector_load %get3A_440[%get3A_441, %get3A_442] {strides = array<i32>} : memref<200x128xf32, #tpu.memory_space<vmem>>, vector<16xf32>,
        %eq3A_444 = arith.cmpi eq, %get3A_44, %broadcast_in_dim3A_383 : vector<16xi32>
        %select_n3A_445 = arith.select %eq3A_444, %broadcast_in_dim3A_33, %get3A_443 : vector<16xi1>, vector<16xf32>
        %max3A_446 = arith.maximumf %scan3A_368, %select_n3A_445 : vector<16xf32>
        %select_n3A_447 = arith.select %eq3A_444, %get3A_443, %scan3A_376 : vector<16xi1>, vector<16xf32>
        %get3A_448 = arith.constant 0 : i32
        %get3A_449 = arith.constant 0 : i32
        %get3A_450 = tpu.memref_slice %arg7[%scan3A_355, %get3A_448, %get3A_449] : memref<4x200x128xf32, #tpu.memory_space<vmem>> -> memref<1x200x128xf32, #tpu.memory_space<vmem>>
        %get3A_451 = tpu.memref_squeeze %get3A_450 : memref<1x200x128xf32, #tpu.memory_space<vmem>> -> memref<200x128xf32, #tpu.memory_space<vmem>>
        %get3A_452 = arith.index_cast %scan3A_362 : i32 to index
        %get3A_453 = arith.constant 96 : index
        %get3A_454 = tpu.vector_load %get3A_451[%get3A_452, %get3A_453] {strides = array<i32>} : memref<200x128xf32, #tpu.memory_space<vmem>>, vector<16xf32>,
        %eq3A_455 = arith.cmpi eq, %get3A_46, %broadcast_in_dim3A_383 : vector<16xi32>
        %select_n3A_456 = arith.select %eq3A_455, %broadcast_in_dim3A_33, %get3A_454 : vector<16xi1>, vector<16xf32>
        %max3A_457 = arith.maximumf %scan3A_369, %select_n3A_456 : vector<16xf32>
        %select_n3A_458 = arith.select %eq3A_455, %get3A_454, %scan3A_377 : vector<16xi1>, vector<16xf32>
        %get3A_459 = arith.constant 0 : i32
        %get3A_460 = arith.constant 0 : i32
        %get3A_461 = tpu.memref_slice %arg7[%scan3A_355, %get3A_459, %get3A_460] : memref<4x200x128xf32, #tpu.memory_space<vmem>> -> memref<1x200x128xf32, #tpu.memory_space<vmem>>
        %get3A_462 = tpu.memref_squeeze %get3A_461 : memref<1x200x128xf32, #tpu.memory_space<vmem>> -> memref<200x128xf32, #tpu.memory_space<vmem>>
        %get3A_463 = arith.index_cast %scan3A_362 : i32 to index
        %get3A_464 = arith.constant 112 : index
        %get3A_465 = tpu.vector_load %get3A_462[%get3A_463, %get3A_464] {strides = array<i32>} : memref<200x128xf32, #tpu.memory_space<vmem>>, vector<16xf32>,
        %eq3A_466 = arith.cmpi eq, %get3A_48, %broadcast_in_dim3A_383 : vector<16xi32>
        %select_n3A_467 = arith.select %eq3A_466, %broadcast_in_dim3A_33, %get3A_465 : vector<16xi1>, vector<16xf32>
        %max3A_468 = arith.maximumf %scan3A_370, %select_n3A_467 : vector<16xf32>
        %select_n3A_469 = arith.select %eq3A_466, %get3A_465, %scan3A_378 : vector<16xi1>, vector<16xf32>
        scf.yield %max3A, %max3A_402, %max3A_413, %max3A_424, %max3A_435, %max3A_446, %max3A_457, %max3A_468, %select_n3A_392, %select_n3A_403, %select_n3A_414, %select_n3A_425, %select_n3A_436, %select_n3A_447, %select_n3A_458, %select_n3A_469 : vector<16xf32>, vector<16xf32>, vector<16xf32>, vector<16xf32>, vector<16xf32>, vector<16xf32>, vector<16xf32>, vector<16xf32>, vector<16xf32>, vector<16xf32>, vector<16xf32>, vector<16xf32>, vector<16xf32>, vector<16xf32>, vector<16xf32>, vector<16xf32>
      }
      %scan3A_361 = arith.constant 200 : i32
      scf.yield %scan3A_360#0, %scan3A_360#1, %scan3A_360#2, %scan3A_360#3, %scan3A_360#4, %scan3A_360#5, %scan3A_360#6, %scan3A_360#7, %scan3A_360#8, %scan3A_360#9, %scan3A_360#10, %scan3A_360#11, %scan3A_360#12, %scan3A_360#13, %scan3A_360#14, %scan3A_360#15 : vector<16xf32>, vector<16xf32>, vector<16xf32>, vector<16xf32>, vector<16xf32>, vector<16xf32>, vector<16xf32>, vector<16xf32>, vector<16xf32>, vector<16xf32>, vector<16xf32>, vector<16xf32>, vector<16xf32>, vector<16xf32>, vector<16xf32>, vector<16xf32>
    }
    %scan3A_101 = arith.constant 6 : i32
    %add3A_102 = arith.constant 4800 : i32
    %add3A_103 = arith.addi %add3A_24, %add3A_102 : i32
    %dma_wait3A_104 = arith.constant 0 : i32
    %dma_wait3A_105 = arith.constant 0 : i32
    %dma_wait3A_106 = arith.constant 0 : i32
    %dma_wait3A_107 = arith.constant 0 : i32
    %dma_wait3A_108 = tpu.memref_slice %arg7[%dma_wait3A_104, %dma_wait3A_106, %dma_wait3A_107] : memref<4x200x128xf32, #tpu.memory_space<vmem>> -> memref<1x200x128xf32, #tpu.memory_space<vmem>>
    %dma_wait3A_109 = tpu.memref_squeeze %dma_wait3A_108 : memref<1x200x128xf32, #tpu.memory_space<vmem>> -> memref<200x128xf32, #tpu.memory_space<vmem>>
    %dma_wait3A_110 = tpu.memref_slice %arg2[%add3A_103, %mul3A_20] : memref<100000x1024xf32, #tpu.memory_space<hbm>> -> memref<200x128xf32, #tpu.memory_space<hbm>>
    %dma_wait3A_111 = tpu.memref_slice %arg9[%dma_wait3A_105] : memref<5x!tpu.dma_semaphore, #tpu.memory_space<semaphore_mem>> -> memref<1x!tpu.dma_semaphore, #tpu.memory_space<semaphore_mem>>
    %dma_wait3A_112 = tpu.memref_squeeze %dma_wait3A_111 : memref<1x!tpu.dma_semaphore, #tpu.memory_space<semaphore_mem>> -> memref<!tpu.dma_semaphore, #tpu.memory_space<semaphore_mem>>
    %dma_wait3A_113 = arith.constant 0 : i32
    %dma_wait3A_114 = arith.constant 0 : i32
    %dma_wait3A_115 = tpu.memref_slice %arg7[%dma_wait3A_104, %dma_wait3A_113, %dma_wait3A_114] : memref<4x200x128xf32, #tpu.memory_space<vmem>> -> memref<1x200x128xf32, #tpu.memory_space<vmem>>
    %dma_wait3A_116 = tpu.memref_squeeze %dma_wait3A_115 : memref<1x200x128xf32, #tpu.memory_space<vmem>> -> memref<200x128xf32, #tpu.memory_space<vmem>>
    %dma_wait3A_117 = tpu.memref_slice %arg2[%add3A_103, %mul3A_20] : memref<100000x1024xf32, #tpu.memory_space<hbm>> -> memref<200x128xf32, #tpu.memory_space<hbm>>
    tpu.wait_dma2 semaphore(%dma_wait3A_112 : memref<!tpu.dma_semaphore, #tpu.memory_space<semaphore_mem>>) src(%dma_wait3A_117 : memref<200x128xf32, #tpu.memory_space<hbm>>) dst(%dma_wait3A_116 : memref<200x128xf32, #tpu.memory_space<vmem>>)
    %scan3A_118 = arith.constant 0 : i32
    %scan3A_119 = arith.constant 0 : i32
    %scan3A_120 = arith.constant 200 : i32
    %scan3A_121 = arith.addi %scan3A_119, %scan3A_120 : i32
    %scan3A_122 = arith.constant 1 : i32
    %scan3A_123:16 = scf.for %scan3A_200 = %scan3A_119 to %scan3A_121 step %scan3A_122 iter_args(%scan3A_201 = %scan3A_100#0, %scan3A_202 = %scan3A_100#1, %scan3A_203 = %scan3A_100#2, %scan3A_204 = %scan3A_100#3, %scan3A_205 = %scan3A_100#4, %scan3A_206 = %scan3A_100#5, %scan3A_207 = %scan3A_100#6, %scan3A_208 = %scan3A_100#7, %scan3A_209 = %scan3A_100#8, %scan3A_210 = %scan3A_100#9, %scan3A_211 = %scan3A_100#10, %scan3A_212 = %scan3A_100#11, %scan3A_213 = %scan3A_100#12, %scan3A_214 = %scan3A_100#13, %scan3A_215 = %scan3A_100#14, %scan3A_216 = %scan3A_100#15) -> (vector<16xf32>, vector<16xf32>, vector<16xf32>, vector<16xf32>, vector<16xf32>, vector<16xf32>, vector<16xf32>, vector<16xf32>, vector<16xf32>, vector<16xf32>, vector<16xf32>, vector<16xf32>, vector<16xf32>, vector<16xf32>, vector<16xf32>, vector<16xf32>)  : i32 {
      %add3A_217 = arith.constant 4800 : i32
      %add3A_218 = arith.addi %add3A_24, %add3A_217 : i32
      %add3A_219 = arith.addi %add3A_218, %scan3A_200 : i32
      %broadcast_in_dim3A_220 = vector.broadcast %add3A_219 : i32 to vector<16xi32>
      %get3A_221 = arith.constant 0 : i32
      %get3A_222 = arith.constant 0 : i32
      %get3A_223 = tpu.memref_slice %arg7[%scan3A_118, %get3A_221, %get3A_222] : memref<4x200x128xf32, #tpu.memory_space<vmem>> -> memref<1x200x128xf32, #tpu.memory_space<vmem>>
      %get3A_224 = tpu.memref_squeeze %get3A_223 : memref<1x200x128xf32, #tpu.memory_space<vmem>> -> memref<200x128xf32, #tpu.memory_space<vmem>>
      %get3A_225 = arith.index_cast %scan3A_200 : i32 to index
      %get3A_226 = arith.constant 0 : index
      %get3A_227 = tpu.vector_load %get3A_224[%get3A_225, %get3A_226] {strides = array<i32>} : memref<200x128xf32, #tpu.memory_space<vmem>>, vector<16xf32>,
      %eq3A = arith.cmpi eq, %get3A_34, %broadcast_in_dim3A_220 : vector<16xi32>
      %select_n3A_228 = arith.select %eq3A, %broadcast_in_dim3A_33, %get3A_227 : vector<16xi1>, vector<16xf32>
      %max3A = arith.maximumf %scan3A_201, %select_n3A_228 : vector<16xf32>
      %select_n3A_229 = arith.select %eq3A, %get3A_227, %scan3A_209 : vector<16xi1>, vector<16xf32>
      %get3A_230 = arith.constant 0 : i32
      %get3A_231 = arith.constant 0 : i32
      %get3A_232 = tpu.memref_slice %arg7[%scan3A_118, %get3A_230, %get3A_231] : memref<4x200x128xf32, #tpu.memory_space<vmem>> -> memref<1x200x128xf32, #tpu.memory_space<vmem>>
      %get3A_233 = tpu.memref_squeeze %get3A_232 : memref<1x200x128xf32, #tpu.memory_space<vmem>> -> memref<200x128xf32, #tpu.memory_space<vmem>>
      %get3A_234 = arith.index_cast %scan3A_200 : i32 to index
      %get3A_235 = arith.constant 16 : index
      %get3A_236 = tpu.vector_load %get3A_233[%get3A_234, %get3A_235] {strides = array<i32>} : memref<200x128xf32, #tpu.memory_space<vmem>>, vector<16xf32>,
      %eq3A_237 = arith.cmpi eq, %get3A_36, %broadcast_in_dim3A_220 : vector<16xi32>
      %select_n3A_238 = arith.select %eq3A_237, %broadcast_in_dim3A_33, %get3A_236 : vector<16xi1>, vector<16xf32>
      %max3A_239 = arith.maximumf %scan3A_202, %select_n3A_238 : vector<16xf32>
      %select_n3A_240 = arith.select %eq3A_237, %get3A_236, %scan3A_210 : vector<16xi1>, vector<16xf32>
      %get3A_241 = arith.constant 0 : i32
      %get3A_242 = arith.constant 0 : i32
      %get3A_243 = tpu.memref_slice %arg7[%scan3A_118, %get3A_241, %get3A_242] : memref<4x200x128xf32, #tpu.memory_space<vmem>> -> memref<1x200x128xf32, #tpu.memory_space<vmem>>
      %get3A_244 = tpu.memref_squeeze %get3A_243 : memref<1x200x128xf32, #tpu.memory_space<vmem>> -> memref<200x128xf32, #tpu.memory_space<vmem>>
      %get3A_245 = arith.index_cast %scan3A_200 : i32 to index
      %get3A_246 = arith.constant 32 : index
      %get3A_247 = tpu.vector_load %get3A_244[%get3A_245, %get3A_246] {strides = array<i32>} : memref<200x128xf32, #tpu.memory_space<vmem>>, vector<16xf32>,
      %eq3A_248 = arith.cmpi eq, %get3A_38, %broadcast_in_dim3A_220 : vector<16xi32>
      %select_n3A_249 = arith.select %eq3A_248, %broadcast_in_dim3A_33, %get3A_247 : vector<16xi1>, vector<16xf32>
      %max3A_250 = arith.maximumf %scan3A_203, %select_n3A_249 : vector<16xf32>
      %select_n3A_251 = arith.select %eq3A_248, %get3A_247, %scan3A_211 : vector<16xi1>, vector<16xf32>
      %get3A_252 = arith.constant 0 : i32
      %get3A_253 = arith.constant 0 : i32
      %get3A_254 = tpu.memref_slice %arg7[%scan3A_118, %get3A_252, %get3A_253] : memref<4x200x128xf32, #tpu.memory_space<vmem>> -> memref<1x200x128xf32, #tpu.memory_space<vmem>>
      %get3A_255 = tpu.memref_squeeze %get3A_254 : memref<1x200x128xf32, #tpu.memory_space<vmem>> -> memref<200x128xf32, #tpu.memory_space<vmem>>
      %get3A_256 = arith.index_cast %scan3A_200 : i32 to index
      %get3A_257 = arith.constant 48 : index
      %get3A_258 = tpu.vector_load %get3A_255[%get3A_256, %get3A_257] {strides = array<i32>} : memref<200x128xf32, #tpu.memory_space<vmem>>, vector<16xf32>,
      %eq3A_259 = arith.cmpi eq, %get3A_40, %broadcast_in_dim3A_220 : vector<16xi32>
      %select_n3A_260 = arith.select %eq3A_259, %broadcast_in_dim3A_33, %get3A_258 : vector<16xi1>, vector<16xf32>
      %max3A_261 = arith.maximumf %scan3A_204, %select_n3A_260 : vector<16xf32>
      %select_n3A_262 = arith.select %eq3A_259, %get3A_258, %scan3A_212 : vector<16xi1>, vector<16xf32>
      %get3A_263 = arith.constant 0 : i32
      %get3A_264 = arith.constant 0 : i32
      %get3A_265 = tpu.memref_slice %arg7[%scan3A_118, %get3A_263, %get3A_264] : memref<4x200x128xf32, #tpu.memory_space<vmem>> -> memref<1x200x128xf32, #tpu.memory_space<vmem>>
      %get3A_266 = tpu.memref_squeeze %get3A_265 : memref<1x200x128xf32, #tpu.memory_space<vmem>> -> memref<200x128xf32, #tpu.memory_space<vmem>>
      %get3A_267 = arith.index_cast %scan3A_200 : i32 to index
      %get3A_268 = arith.constant 64 : index
      %get3A_269 = tpu.vector_load %get3A_266[%get3A_267, %get3A_268] {strides = array<i32>} : memref<200x128xf32, #tpu.memory_space<vmem>>, vector<16xf32>,
      %eq3A_270 = arith.cmpi eq, %get3A_42, %broadcast_in_dim3A_220 : vector<16xi32>
      %select_n3A_271 = arith.select %eq3A_270, %broadcast_in_dim3A_33, %get3A_269 : vector<16xi1>, vector<16xf32>
      %max3A_272 = arith.maximumf %scan3A_205, %select_n3A_271 : vector<16xf32>
      %select_n3A_273 = arith.select %eq3A_270, %get3A_269, %scan3A_213 : vector<16xi1>, vector<16xf32>
      %get3A_274 = arith.constant 0 : i32
      %get3A_275 = arith.constant 0 : i32
      %get3A_276 = tpu.memref_slice %arg7[%scan3A_118, %get3A_274, %get3A_275] : memref<4x200x128xf32, #tpu.memory_space<vmem>> -> memref<1x200x128xf32, #tpu.memory_space<vmem>>
      %get3A_277 = tpu.memref_squeeze %get3A_276 : memref<1x200x128xf32, #tpu.memory_space<vmem>> -> memref<200x128xf32, #tpu.memory_space<vmem>>
      %get3A_278 = arith.index_cast %scan3A_200 : i32 to index
      %get3A_279 = arith.constant 80 : index
      %get3A_280 = tpu.vector_load %get3A_277[%get3A_278, %get3A_279] {strides = array<i32>} : memref<200x128xf32, #tpu.memory_space<vmem>>, vector<16xf32>,
      %eq3A_281 = arith.cmpi eq, %get3A_44, %broadcast_in_dim3A_220 : vector<16xi32>
      %select_n3A_282 = arith.select %eq3A_281, %broadcast_in_dim3A_33, %get3A_280 : vector<16xi1>, vector<16xf32>
      %max3A_283 = arith.maximumf %scan3A_206, %select_n3A_282 : vector<16xf32>
      %select_n3A_284 = arith.select %eq3A_281, %get3A_280, %scan3A_214 : vector<16xi1>, vector<16xf32>
      %get3A_285 = arith.constant 0 : i32
      %get3A_286 = arith.constant 0 : i32
      %get3A_287 = tpu.memref_slice %arg7[%scan3A_118, %get3A_285, %get3A_286] : memref<4x200x128xf32, #tpu.memory_space<vmem>> -> memref<1x200x128xf32, #tpu.memory_space<vmem>>
      %get3A_288 = tpu.memref_squeeze %get3A_287 : memref<1x200x128xf32, #tpu.memory_space<vmem>> -> memref<200x128xf32, #tpu.memory_space<vmem>>
      %get3A_289 = arith.index_cast %scan3A_200 : i32 to index
      %get3A_290 = arith.constant 96 : index
      %get3A_291 = tpu.vector_load %get3A_288[%get3A_289, %get3A_290] {strides = array<i32>} : memref<200x128xf32, #tpu.memory_space<vmem>>, vector<16xf32>,
      %eq3A_292 = arith.cmpi eq, %get3A_46, %broadcast_in_dim3A_220 : vector<16xi32>
      %select_n3A_293 = arith.select %eq3A_292, %broadcast_in_dim3A_33, %get3A_291 : vector<16xi1>, vector<16xf32>
      %max3A_294 = arith.maximumf %scan3A_207, %select_n3A_293 : vector<16xf32>
      %select_n3A_295 = arith.select %eq3A_292, %get3A_291, %scan3A_215 : vector<16xi1>, vector<16xf32>
      %get3A_296 = arith.constant 0 : i32
      %get3A_297 = arith.constant 0 : i32
      %get3A_298 = tpu.memref_slice %arg7[%scan3A_118, %get3A_296, %get3A_297] : memref<4x200x128xf32, #tpu.memory_space<vmem>> -> memref<1x200x128xf32, #tpu.memory_space<vmem>>
      %get3A_299 = tpu.memref_squeeze %get3A_298 : memref<1x200x128xf32, #tpu.memory_space<vmem>> -> memref<200x128xf32, #tpu.memory_space<vmem>>
      %get3A_300 = arith.index_cast %scan3A_200 : i32 to index
      %get3A_301 = arith.constant 112 : index
      %get3A_302 = tpu.vector_load %get3A_299[%get3A_300, %get3A_301] {strides = array<i32>} : memref<200x128xf32, #tpu.memory_space<vmem>>, vector<16xf32>,
      %eq3A_303 = arith.cmpi eq, %get3A_48, %broadcast_in_dim3A_220 : vector<16xi32>
      %select_n3A_304 = arith.select %eq3A_303, %broadcast_in_dim3A_33, %get3A_302 : vector<16xi1>, vector<16xf32>
      %max3A_305 = arith.maximumf %scan3A_208, %select_n3A_304 : vector<16xf32>
      %select_n3A_306 = arith.select %eq3A_303, %get3A_302, %scan3A_216 : vector<16xi1>, vector<16xf32>
      scf.yield %max3A, %max3A_239, %max3A_250, %max3A_261, %max3A_272, %max3A_283, %max3A_294, %max3A_305, %select_n3A_229, %select_n3A_240, %select_n3A_251, %select_n3A_262, %select_n3A_273, %select_n3A_284, %select_n3A_295, %select_n3A_306 : vector<16xf32>, vector<16xf32>, vector<16xf32>, vector<16xf32>, vector<16xf32>, vector<16xf32>, vector<16xf32>, vector<16xf32>, vector<16xf32>, vector<16xf32>, vector<16xf32>, vector<16xf32>, vector<16xf32>, vector<16xf32>, vector<16xf32>, vector<16xf32>
    }
    %scan3A_124 = arith.constant 200 : i32
    %swap3A = arith.constant 0 : index
    %swap3A_125 = tpu.vector_load %arg8[%swap3A] {strides = array<i32>} : memref<256xf32, #tpu.memory_space<vmem>>, vector<16xf32>,
    tpu.vector_store %arg8[%swap3A], %scan3A_123#0 {strides = array<i32>} : memref<256xf32, #tpu.memory_space<vmem>>, vector<16xf32>,
    %swap3A_126 = arith.constant 128 : index
    %swap3A_127 = tpu.vector_load %arg8[%swap3A_126] {strides = array<i32>} : memref<256xf32, #tpu.memory_space<vmem>>, vector<16xf32>,
    tpu.vector_store %arg8[%swap3A_126], %scan3A_123#8 {strides = array<i32>} : memref<256xf32, #tpu.memory_space<vmem>>, vector<16xf32>,
    %swap3A_128 = arith.constant 16 : index
    %swap3A_129 = tpu.vector_load %arg8[%swap3A_128] {strides = array<i32>} : memref<256xf32, #tpu.memory_space<vmem>>, vector<16xf32>,
    tpu.vector_store %arg8[%swap3A_128], %scan3A_123#1 {strides = array<i32>} : memref<256xf32, #tpu.memory_space<vmem>>, vector<16xf32>,
    %swap3A_130 = arith.constant 144 : index
    %swap3A_131 = tpu.vector_load %arg8[%swap3A_130] {strides = array<i32>} : memref<256xf32, #tpu.memory_space<vmem>>, vector<16xf32>,
    tpu.vector_store %arg8[%swap3A_130], %scan3A_123#9 {strides = array<i32>} : memref<256xf32, #tpu.memory_space<vmem>>, vector<16xf32>,
    %swap3A_132 = arith.constant 32 : index
    %swap3A_133 = tpu.vector_load %arg8[%swap3A_132] {strides = array<i32>} : memref<256xf32, #tpu.memory_space<vmem>>, vector<16xf32>,
    tpu.vector_store %arg8[%swap3A_132], %scan3A_123#2 {strides = array<i32>} : memref<256xf32, #tpu.memory_space<vmem>>, vector<16xf32>,
    %swap3A_134 = arith.constant 160 : index
    %swap3A_135 = tpu.vector_load %arg8[%swap3A_134] {strides = array<i32>} : memref<256xf32, #tpu.memory_space<vmem>>, vector<16xf32>,
    tpu.vector_store %arg8[%swap3A_134], %scan3A_123#10 {strides = array<i32>} : memref<256xf32, #tpu.memory_space<vmem>>, vector<16xf32>,
    %swap3A_136 = arith.constant 48 : index
    %swap3A_137 = tpu.vector_load %arg8[%swap3A_136] {strides = array<i32>} : memref<256xf32, #tpu.memory_space<vmem>>, vector<16xf32>,
    tpu.vector_store %arg8[%swap3A_136], %scan3A_123#3 {strides = array<i32>} : memref<256xf32, #tpu.memory_space<vmem>>, vector<16xf32>,
    %swap3A_138 = arith.constant 176 : index
    %swap3A_139 = tpu.vector_load %arg8[%swap3A_138] {strides = array<i32>} : memref<256xf32, #tpu.memory_space<vmem>>, vector<16xf32>,
    tpu.vector_store %arg8[%swap3A_138], %scan3A_123#11 {strides = array<i32>} : memref<256xf32, #tpu.memory_space<vmem>>, vector<16xf32>,
    %swap3A_140 = arith.constant 64 : index
    %swap3A_141 = tpu.vector_load %arg8[%swap3A_140] {strides = array<i32>} : memref<256xf32, #tpu.memory_space<vmem>>, vector<16xf32>,
    tpu.vector_store %arg8[%swap3A_140], %scan3A_123#4 {strides = array<i32>} : memref<256xf32, #tpu.memory_space<vmem>>, vector<16xf32>,
    %swap3A_142 = arith.constant 192 : index
    %swap3A_143 = tpu.vector_load %arg8[%swap3A_142] {strides = array<i32>} : memref<256xf32, #tpu.memory_space<vmem>>, vector<16xf32>,
    tpu.vector_store %arg8[%swap3A_142], %scan3A_123#12 {strides = array<i32>} : memref<256xf32, #tpu.memory_space<vmem>>, vector<16xf32>,
    %swap3A_144 = arith.constant 80 : index
    %swap3A_145 = tpu.vector_load %arg8[%swap3A_144] {strides = array<i32>} : memref<256xf32, #tpu.memory_space<vmem>>, vector<16xf32>,
    tpu.vector_store %arg8[%swap3A_144], %scan3A_123#5 {strides = array<i32>} : memref<256xf32, #tpu.memory_space<vmem>>, vector<16xf32>,
    %swap3A_146 = arith.constant 208 : index
    %swap3A_147 = tpu.vector_load %arg8[%swap3A_146] {strides = array<i32>} : memref<256xf32, #tpu.memory_space<vmem>>, vector<16xf32>,
    tpu.vector_store %arg8[%swap3A_146], %scan3A_123#13 {strides = array<i32>} : memref<256xf32, #tpu.memory_space<vmem>>, vector<16xf32>,
    %swap3A_148 = arith.constant 96 : index
    %swap3A_149 = tpu.vector_load %arg8[%swap3A_148] {strides = array<i32>} : memref<256xf32, #tpu.memory_space<vmem>>, vector<16xf32>,
    tpu.vector_store %arg8[%swap3A_148], %scan3A_123#6 {strides = array<i32>} : memref<256xf32, #tpu.memory_space<vmem>>, vector<16xf32>,
    %swap3A_150 = arith.constant 224 : index
    %swap3A_151 = tpu.vector_load %arg8[%swap3A_150] {strides = array<i32>} : memref<256xf32, #tpu.memory_space<vmem>>, vector<16xf32>,
    tpu.vector_store %arg8[%swap3A_150], %scan3A_123#14 {strides = array<i32>} : memref<256xf32, #tpu.memory_space<vmem>>, vector<16xf32>,
    %swap3A_152 = arith.constant 112 : index
    %swap3A_153 = tpu.vector_load %arg8[%swap3A_152] {strides = array<i32>} : memref<256xf32, #tpu.memory_space<vmem>>, vector<16xf32>,
    tpu.vector_store %arg8[%swap3A_152], %scan3A_123#7 {strides = array<i32>} : memref<256xf32, #tpu.memory_space<vmem>>, vector<16xf32>,
    %swap3A_154 = arith.constant 240 : index
    %swap3A_155 = tpu.vector_load %arg8[%swap3A_154] {strides = array<i32>} : memref<256xf32, #tpu.memory_space<vmem>>, vector<16xf32>,
    tpu.vector_store %arg8[%swap3A_154], %scan3A_123#15 {strides = array<i32>} : memref<256xf32, #tpu.memory_space<vmem>>, vector<16xf32>,
    %dma_start3A_156 = arith.constant 4 : i32
    %dma_start3A_157 = arith.constant 0 : i32
    %dma_start3A_158 = tpu.memref_slice %arg8[%dma_start3A_157] : memref<256xf32, #tpu.memory_space<vmem>> -> memref<128xf32, #tpu.memory_space<vmem>>
    %dma_start3A_159 = tpu.memref_slice %arg4[%rem3A_18, %mul3A_20] : memref<4x1024xf32, #tpu.memory_space<hbm>> -> memref<1x128xf32, #tpu.memory_space<hbm>>
    %dma_start3A_160 = tpu.memref_squeeze %dma_start3A_159 : memref<1x128xf32, #tpu.memory_space<hbm>> -> memref<128xf32, #tpu.memory_space<hbm>>
    %dma_start3A_161 = tpu.memref_slice %arg9[%dma_start3A_156] : memref<5x!tpu.dma_semaphore, #tpu.memory_space<semaphore_mem>> -> memref<1x!tpu.dma_semaphore, #tpu.memory_space<semaphore_mem>>
    %dma_start3A_162 = tpu.memref_squeeze %dma_start3A_161 : memref<1x!tpu.dma_semaphore, #tpu.memory_space<semaphore_mem>> -> memref<!tpu.dma_semaphore, #tpu.memory_space<semaphore_mem>>
    %dma_start3A_163 = tpu.memref_slice %arg4[%rem3A_18, %mul3A_20] : memref<4x1024xf32, #tpu.memory_space<hbm>> -> memref<1x128xf32, #tpu.memory_space<hbm>>
    %dma_start3A_164 = tpu.memref_squeeze %dma_start3A_163 : memref<1x128xf32, #tpu.memory_space<hbm>> -> memref<128xf32, #tpu.memory_space<hbm>>
    %dma_start3A_165 = arith.constant 0 : i32
    %dma_start3A_166 = tpu.memref_slice %arg8[%dma_start3A_165] : memref<256xf32, #tpu.memory_space<vmem>> -> memref<128xf32, #tpu.memory_space<vmem>>
    tpu.enqueue_dma source(%dma_start3A_166 : memref<128xf32, #tpu.memory_space<vmem>>) target(%dma_start3A_164 : memref<128xf32, #tpu.memory_space<hbm>>) target_semaphore(%dma_start3A_162 : memref<!tpu.dma_semaphore, #tpu.memory_space<semaphore_mem>>)
    %dma_wait3A_167 = arith.constant 4 : i32
    %dma_wait3A_168 = arith.constant 0 : i32
    %dma_wait3A_169 = tpu.memref_slice %arg8[%dma_wait3A_168] : memref<256xf32, #tpu.memory_space<vmem>> -> memref<128xf32, #tpu.memory_space<vmem>>
    %dma_wait3A_170 = tpu.memref_slice %arg4[%rem3A_18, %mul3A_20] : memref<4x1024xf32, #tpu.memory_space<hbm>> -> memref<1x128xf32, #tpu.memory_space<hbm>>
    %dma_wait3A_171 = tpu.memref_squeeze %dma_wait3A_170 : memref<1x128xf32, #tpu.memory_space<hbm>> -> memref<128xf32, #tpu.memory_space<hbm>>
    %dma_wait3A_172 = tpu.memref_slice %arg9[%dma_wait3A_167] : memref<5x!tpu.dma_semaphore, #tpu.memory_space<semaphore_mem>> -> memref<1x!tpu.dma_semaphore, #tpu.memory_space<semaphore_mem>>
    %dma_wait3A_173 = tpu.memref_squeeze %dma_wait3A_172 : memref<1x!tpu.dma_semaphore, #tpu.memory_space<semaphore_mem>> -> memref<!tpu.dma_semaphore, #tpu.memory_space<semaphore_mem>>
    %dma_wait3A_174 = tpu.memref_slice %arg4[%rem3A_18, %mul3A_20] : memref<4x1024xf32, #tpu.memory_space<hbm>> -> memref<1x128xf32, #tpu.memory_space<hbm>>
    %dma_wait3A_175 = tpu.memref_squeeze %dma_wait3A_174 : memref<1x128xf32, #tpu.memory_space<hbm>> -> memref<128xf32, #tpu.memory_space<hbm>>
    %dma_wait3A_176 = arith.constant 0 : i32
    %dma_wait3A_177 = tpu.memref_slice %arg8[%dma_wait3A_176] : memref<256xf32, #tpu.memory_space<vmem>> -> memref<128xf32, #tpu.memory_space<vmem>>
    tpu.wait_dma2 semaphore(%dma_wait3A_173 : memref<!tpu.dma_semaphore, #tpu.memory_space<semaphore_mem>>) src(%dma_wait3A_177 : memref<128xf32, #tpu.memory_space<vmem>>) dst(%dma_wait3A_175 : memref<128xf32, #tpu.memory_space<hbm>>)
    %dma_start3A_178 = arith.constant 4 : i32
    %dma_start3A_179 = arith.constant 128 : i32
    %dma_start3A_180 = tpu.memref_slice %arg8[%dma_start3A_179] : memref<256xf32, #tpu.memory_space<vmem>> -> memref<128xf32, #tpu.memory_space<vmem>>
    %dma_start3A_181 = tpu.memref_slice %arg5[%rem3A_18, %mul3A_20] : memref<4x1024xf32, #tpu.memory_space<hbm>> -> memref<1x128xf32, #tpu.memory_space<hbm>>
    %dma_start3A_182 = tpu.memref_squeeze %dma_start3A_181 : memref<1x128xf32, #tpu.memory_space<hbm>> -> memref<128xf32, #tpu.memory_space<hbm>>
    %dma_start3A_183 = tpu.memref_slice %arg9[%dma_start3A_178] : memref<5x!tpu.dma_semaphore, #tpu.memory_space<semaphore_mem>> -> memref<1x!tpu.dma_semaphore, #tpu.memory_space<semaphore_mem>>
    %dma_start3A_184 = tpu.memref_squeeze %dma_start3A_183 : memref<1x!tpu.dma_semaphore, #tpu.memory_space<semaphore_mem>> -> memref<!tpu.dma_semaphore, #tpu.memory_space<semaphore_mem>>
    %dma_start3A_185 = tpu.memref_slice %arg5[%rem3A_18, %mul3A_20] : memref<4x1024xf32, #tpu.memory_space<hbm>> -> memref<1x128xf32, #tpu.memory_space<hbm>>
    %dma_start3A_186 = tpu.memref_squeeze %dma_start3A_185 : memref<1x128xf32, #tpu.memory_space<hbm>> -> memref<128xf32, #tpu.memory_space<hbm>>
    %dma_start3A_187 = arith.constant 128 : i32
    %dma_start3A_188 = tpu.memref_slice %arg8[%dma_start3A_187] : memref<256xf32, #tpu.memory_space<vmem>> -> memref<128xf32, #tpu.memory_space<vmem>>
    tpu.enqueue_dma source(%dma_start3A_188 : memref<128xf32, #tpu.memory_space<vmem>>) target(%dma_start3A_186 : memref<128xf32, #tpu.memory_space<hbm>>) target_semaphore(%dma_start3A_184 : memref<!tpu.dma_semaphore, #tpu.memory_space<semaphore_mem>>)
    %dma_wait3A_189 = arith.constant 4 : i32
    %dma_wait3A_190 = arith.constant 128 : i32
    %dma_wait3A_191 = tpu.memref_slice %arg8[%dma_wait3A_190] : memref<256xf32, #tpu.memory_space<vmem>> -> memref<128xf32, #tpu.memory_space<vmem>>
    %dma_wait3A_192 = tpu.memref_slice %arg5[%rem3A_18, %mul3A_20] : memref<4x1024xf32, #tpu.memory_space<hbm>> -> memref<1x128xf32, #tpu.memory_space<hbm>>
    %dma_wait3A_193 = tpu.memref_squeeze %dma_wait3A_192 : memref<1x128xf32, #tpu.memory_space<hbm>> -> memref<128xf32, #tpu.memory_space<hbm>>
    %dma_wait3A_194 = tpu.memref_slice %arg9[%dma_wait3A_189] : memref<5x!tpu.dma_semaphore, #tpu.memory_space<semaphore_mem>> -> memref<1x!tpu.dma_semaphore, #tpu.memory_space<semaphore_mem>>
    %dma_wait3A_195 = tpu.memref_squeeze %dma_wait3A_194 : memref<1x!tpu.dma_semaphore, #tpu.memory_space<semaphore_mem>> -> memref<!tpu.dma_semaphore, #tpu.memory_space<semaphore_mem>>
    %dma_wait3A_196 = tpu.memref_slice %arg5[%rem3A_18, %mul3A_20] : memref<4x1024xf32, #tpu.memory_space<hbm>> -> memref<1x128xf32, #tpu.memory_space<hbm>>
    %dma_wait3A_197 = tpu.memref_squeeze %dma_wait3A_196 : memref<1x128xf32, #tpu.memory_space<hbm>> -> memref<128xf32, #tpu.memory_space<hbm>>
    %dma_wait3A_198 = arith.constant 128 : i32
    %dma_wait3A_199 = tpu.memref_slice %arg8[%dma_wait3A_198] : memref<256xf32, #tpu.memory_space<vmem>> -> memref<128xf32, #tpu.memory_space<vmem>>
    tpu.wait_dma2 semaphore(%dma_wait3A_195 : memref<!tpu.dma_semaphore, #tpu.memory_space<semaphore_mem>>) src(%dma_wait3A_199 : memref<128xf32, #tpu.memory_space<vmem>>) dst(%dma_wait3A_197 : memref<128xf32, #tpu.memory_space<hbm>>)
    return
  }
}

module attributes {stable_mosaic.version = 14 : i64} {
  func.func @_tc_body(%arg0: i32, %arg1: memref<1x1024xi32, #tpu.memory_space<vmem>>, %arg2: memref<2000x1024xf32, #tpu.memory_space<vmem>>, %arg3: memref<2x1024xf32, #tpu.memory_space<vmem>>, %arg4: memref<1x1024xf32, #tpu.memory_space<vmem>>, %arg5: memref<1x1024xf32, #tpu.memory_space<vmem>>) attributes {dimension_semantics = [#tpu.dimension_semantics<arbitrary>], iteration_bounds = array<i64: 40>, scalar_prefetch = 0 : i64, scratch_operands = 2 : i64, tpu.core_type = #tpu.core_type<tc>, window_params = [{pipeline_mode = #tpu.pipeline_mode<synchronous>, transform_indices = @transform_0, window_bounds = array<i64: 1, 1024>}, {transform_indices = @transform_1, window_bounds = array<i64: 2000, 1024>}, {pipeline_mode = #tpu.pipeline_mode<synchronous>, transform_indices = @transform_2, window_bounds = array<i64: 2, 1024>}]} {
    %eq3A = arith.constant 0 : i32
    %eq3A_0 = arith.cmpi eq, %arg0, %eq3A : i32
    %convert_element_type3A = arith.extui %eq3A_0 : i1 to i32
    %cond3A = arith.constant 0 : i32
    %cond3A_1 = arith.cmpi ne, %convert_element_type3A, %cond3A : i32
    scf.if %cond3A_1 {
      %broadcast_in_dim3A_36 = arith.constant 0xFF800000 : f32
      %broadcast_in_dim3A_37 = vector.broadcast %broadcast_in_dim3A_36 : f32 to vector<1x1024xf32>
      %swap3A_38 = arith.constant 0 : index
      %swap3A_39 = arith.constant 0 : index
      %swap3A_40 = vector.load %arg4[%swap3A_38, %swap3A_39] : memref<1x1024xf32, #tpu.memory_space<vmem>>, vector<1x1024xf32>
      tpu.vector_store %arg4[%swap3A_38, %swap3A_39], %broadcast_in_dim3A_37 {strides = array<i32>} : memref<1x1024xf32, #tpu.memory_space<vmem>>, vector<1x1024xf32>,
      %broadcast_in_dim3A_41 = arith.constant 0xFF800000 : f32
      %broadcast_in_dim3A_42 = vector.broadcast %broadcast_in_dim3A_41 : f32 to vector<1x1024xf32>
      %swap3A_43 = arith.constant 0 : index
      %swap3A_44 = arith.constant 0 : index
      %swap3A_45 = vector.load %arg5[%swap3A_43, %swap3A_44] : memref<1x1024xf32, #tpu.memory_space<vmem>>, vector<1x1024xf32>
      tpu.vector_store %arg5[%swap3A_43, %swap3A_44], %broadcast_in_dim3A_42 {strides = array<i32>} : memref<1x1024xf32, #tpu.memory_space<vmem>>, vector<1x1024xf32>,
    } else {
    }
    %get3A = arith.constant 0 : index
    %get3A_2 = arith.constant 0 : index
    %get3A_3 = vector.load %arg2[%get3A, %get3A_2] : memref<2000x1024xf32, #tpu.memory_space<vmem>>, vector<2000x1024xf32>
    %get3A_4 = arith.constant 0 : index
    %get3A_5 = arith.constant 0 : index
    %get3A_6 = vector.load %arg1[%get3A_4, %get3A_5] : memref<1x1024xi32, #tpu.memory_space<vmem>>, vector<1x1024xi32>
    %iota3A = tpu.iota {dimensions = array<i32: 0>} : vector<2000x1024xi32>
    %mul3A = arith.constant 2000 : i32
    %mul3A_7 = arith.muli %arg0, %mul3A : i32
    %add3A = vector.broadcast %mul3A_7 : i32 to vector<2000x1024xi32>
    %add3A_8 = arith.addi %iota3A, %add3A : vector<2000x1024xi32>
    %eq3A_9 = vector.broadcast %get3A_6 : vector<1x1024xi32> to vector<2000x1024xi32>
    %eq3A_10 = arith.cmpi eq, %add3A_8, %eq3A_9 : vector<2000x1024xi32>
    %jit3A = arith.constant 0xFF800000 : f32
    %broadcast_in_dim3A = vector.broadcast %jit3A : f32 to vector<2000x1024xf32>
    %select_n3A = arith.select %eq3A_10, %broadcast_in_dim3A, %get3A_3 : vector<2000x1024xi1>, vector<2000x1024xf32>
    %reduce_max3A = arith.constant dense<0xFF800000> : vector<1024xf32>
    %reduce_max3A_11 = vector.multi_reduction <maximumf>, %select_n3A, %reduce_max3A [0] : vector<2000x1024xf32> to vector<1024xf32>
    %broadcast_in_dim3A_12 = vector.shape_cast %reduce_max3A_11 : vector<1024xf32> to vector<1x1024xf32>
    %jit3A_13 = arith.constant 0xFF800000 : f32
    %broadcast_in_dim3A_14 = vector.broadcast %jit3A_13 : f32 to vector<2000x1024xf32>
    %select_n3A_15 = arith.select %eq3A_10, %get3A_3, %broadcast_in_dim3A_14 : vector<2000x1024xi1>, vector<2000x1024xf32>
    %reduce_max3A_16 = arith.constant dense<0xFF800000> : vector<1024xf32>
    %reduce_max3A_17 = vector.multi_reduction <maximumf>, %select_n3A_15, %reduce_max3A_16 [0] : vector<2000x1024xf32> to vector<1024xf32>
    %broadcast_in_dim3A_18 = vector.shape_cast %reduce_max3A_17 : vector<1024xf32> to vector<1x1024xf32>
    %get3A_19 = arith.constant 0 : index
    %get3A_20 = arith.constant 0 : index
    %get3A_21 = vector.load %arg4[%get3A_19, %get3A_20] : memref<1x1024xf32, #tpu.memory_space<vmem>>, vector<1x1024xf32>
    %max3A = arith.maximumf %get3A_21, %broadcast_in_dim3A_12 : vector<1x1024xf32>
    %swap3A = arith.constant 0 : index
    %swap3A_22 = arith.constant 0 : index
    %swap3A_23 = vector.load %arg4[%swap3A, %swap3A_22] : memref<1x1024xf32, #tpu.memory_space<vmem>>, vector<1x1024xf32>
    tpu.vector_store %arg4[%swap3A, %swap3A_22], %max3A {strides = array<i32>} : memref<1x1024xf32, #tpu.memory_space<vmem>>, vector<1x1024xf32>,
    %get3A_24 = arith.constant 0 : index
    %get3A_25 = arith.constant 0 : index
    %get3A_26 = vector.load %arg5[%get3A_24, %get3A_25] : memref<1x1024xf32, #tpu.memory_space<vmem>>, vector<1x1024xf32>
    %max3A_27 = arith.maximumf %get3A_26, %broadcast_in_dim3A_18 : vector<1x1024xf32>
    %swap3A_28 = arith.constant 0 : index
    %swap3A_29 = arith.constant 0 : index
    %swap3A_30 = vector.load %arg5[%swap3A_28, %swap3A_29] : memref<1x1024xf32, #tpu.memory_space<vmem>>, vector<1x1024xf32>
    tpu.vector_store %arg5[%swap3A_28, %swap3A_29], %max3A_27 {strides = array<i32>} : memref<1x1024xf32, #tpu.memory_space<vmem>>, vector<1x1024xf32>,
    %eq3A_31 = arith.constant 39 : i32
    %eq3A_32 = arith.cmpi eq, %arg0, %eq3A_31 : i32
    %convert_element_type3A_33 = arith.extui %eq3A_32 : i1 to i32
    %cond3A_34 = arith.constant 0 : i32
    %cond3A_35 = arith.cmpi ne, %convert_element_type3A_33, %cond3A_34 : i32
    scf.if %cond3A_35 {
      %get3A_36 = arith.constant 0 : index
      %get3A_37 = arith.constant 0 : index
      %get3A_38 = vector.load %arg4[%get3A_36, %get3A_37] : memref<1x1024xf32, #tpu.memory_space<vmem>>, vector<1x1024xf32>
      %swap3A_39 = arith.constant 0 : index
      %swap3A_40 = arith.constant 0 : index
      %swap3A_41 = vector.load %arg3[%swap3A_39, %swap3A_40] : memref<2x1024xf32, #tpu.memory_space<vmem>>, vector<1x1024xf32>
      tpu.vector_store %arg3[%swap3A_39, %swap3A_40], %get3A_38 {strides = array<i32>} : memref<2x1024xf32, #tpu.memory_space<vmem>>, vector<1x1024xf32>,
      %get3A_42 = arith.constant 0 : index
      %get3A_43 = arith.constant 0 : index
      %get3A_44 = vector.load %arg5[%get3A_42, %get3A_43] : memref<1x1024xf32, #tpu.memory_space<vmem>>, vector<1x1024xf32>
      %swap3A_45 = arith.constant 1 : index
      %swap3A_46 = arith.constant 0 : index
      %swap3A_47 = vector.load %arg3[%swap3A_45, %swap3A_46] : memref<2x1024xf32, #tpu.memory_space<vmem>>, vector<1x1024xf32>
      tpu.vector_store %arg3[%swap3A_45, %swap3A_46], %get3A_44 {strides = array<i32>} : memref<2x1024xf32, #tpu.memory_space<vmem>>, vector<1x1024xf32>,
    } else {
    }
    return
  }
  func.func @transform_0(%arg0: i32) -> (i32, i32) {
    %c0_i32 = arith.constant 0 : i32
    %c0_i32_0 = arith.constant 0 : i32
    %c0_i32_1 = arith.constant 0 : i32
    return %c0_i32, %c0_i32_0 : i32, i32
  }
  func.func @transform_1(%arg0: i32) -> (i32, i32) {
    %c0_i32 = arith.constant 0 : i32
    %c0_i32_0 = arith.constant 0 : i32
    return %arg0, %c0_i32 : i32, i32
  }
  func.func @transform_2(%arg0: i32) -> (i32, i32) {
    %c0_i32 = arith.constant 0 : i32
    %c0_i32_0 = arith.constant 0 : i32
    %c0_i32_1 = arith.constant 0 : i32
    return %c0_i32, %c0_i32_0 : i32, i32
  }
}

</mosaic_0001>

<sc_bundles>
// kernel: kernel.4.cloned.1.call-start
scs
__scs_entry_jumppad:
0x0: {  	(pc) =	sbr.rel $0x88, $3  }
0x1: {  	(tag) =	ssettag $0x0;
	lr =	simm.s32 $0x1  }
0x2: {  	[smem:$0x3F9F] =	sst lr;
	_ =	strace $0xD0000000  }
0x3: {  	_ = 	snop  }
0x4: {  	_ = 	snop  }
0x5: {  	_ = 	snop  }
0x6: {  	_ = 	snop  }
0x7: {  	_ = 	snop  }
__scs_overlays_trampoline_lowered:
0x8: {  	[smem:$0x3FAE] =	sst s0  }
0x9: {  	[smem:$0x3FAF] =	sst s1  }
0xa: {  	[smem:$0x3FB0] =	sst s2  }
0xb: {  	[smem:$0x3FB1] =	sst s3  }
0xc: {  	[smem:$0x3FB2] =	sst s4  }
0xd: {  	[smem:$0x3FB3] =	sst s5  }
0xe: {  	[smem:$0x3FB4] =	sst s6  }
0xf: {  	[smem:$0x3FB5] =	sst s7  }
0x10: {  	[smem:$0x3FB6] =	sst s8  }
0x11: {  	[smem:$0x3FB7] =	sst s9;
	s0 =	simm.s32 @!p0 $0x0  }
0x12: {  	s1 =	sld [smem:$0x3F9D];
	s0 =	simm.s32 @p0 $0x1  }
0x13: {  	[smem:$0x3FB8] =	sst s0;
	s0 =	simm.s32 @!p1 $0x0  }
0x14: {  	s2 =	sld [smem:$0x3F9C];
	s0 =	simm.s32 @p1 $0x1  }
0x15: {  	[smem:$0x3FB9] =	sst s0;
	s0 =	simm.s32 @!p2 $0x0  }
0x16: {  	s3 =	sld [smem:$0x3FDB];
	s0 =	simm.s32 @p2 $0x1  }
0x17: {  	s4 =	simm.s32 $0x1BF5;
	[smem:$0x3FBB] =	sst s0  }
0x18: {  	s0 =	sld [smem:$0x3F9E];
	_ =	swait.ge [sflag:s4], $0x0  }
0x19: {  	s7 =	sld [smem:$0x3F9F]  }
0x1a: {  	s8 =	sadd.s32 $0xFFFFE003, lr  }
0x1b: {  	s9 =	sadd.s32 $0xFFFFFEF7, lr;
	s5 =	simm.s32 $0xFFFFFFFF;
	p2 =	slt.u32 s8, $0xFFFFF086  }
0x1c: {  	p1 =	slt.u32 s9, $0xF7A;
	s5 =	simm.s32 @!p2 $0x0  }
0x1d: {  	s5 =	simm.s32 @p1 $0x1;
	p0 =	seq.s32 s7, s2  }
0x1e: {  	s7 =	smul.u32 @!p0 $0xF7A, s2;
	p2 =	seq.s32 @!p0 s5, $0x0  }
0x1f: {  	s9 =	smul.u32 $0xF7A, s1;
	s8 =	simm.s32 @!p0 $0x1BF5;
	p2 =	por !p2, p0  }
0x20: {  	[sflag:s8] =	ssyncset.s32 @!p0 $0xFFFFF086;
	s6 =	sadd.s32 @!p0 s3, s7;
	s7 =	simm.s32 @!p0 $0x108  }
0x21: {  	s3 =	sadd.s32 s3, s9;
	s6 =	sadd.s32 @!p0 $0x88, s6;
	s7 =	simm.s32 @p2 $0x1082  }
0x22: {  	[simem:s7], [sflag:s8] =	dma.local @!p0 [hbm:s6], $0xF7A  }
0x23: {  	s9 =	sor.u32 $0xD0000000, s2;
	s6 =	simm.s32 $0x108;
	_ =	swait.ge @!p0 [sflag:s8], $0x0  }
0x24: {  	s3 =	sadd.s32 $0x88, s3;
	s6 =	simm.s32 @!p1 $0x1082;
	[sflag:s4] =	ssyncset.s32 $0xFFFFF086  }
0x25: {  	[simem:s6], [sflag:s4] =	dma.local [hbm:s3], $0xF7A  }
0x26: {  	[smem:$0x3F9F] =	sst s1;
	(tag) =	ssettag s2;
	_ =	strace s9  }
0x27: {  	s1 =	sld [smem:$0x3FAF]  }
0x28: {  	s2 =	sld [smem:$0x3FB0]  }
0x29: {  	s4 =	sld [smem:$0x3FB2]  }
0x2a: {  	p0 =	seq.s32 s5, $0x0;
	s5 =	sld [smem:$0x3FB3]  }
0x2b: {  	s6 =	sld [smem:$0x3FB4]  }
0x2c: {  	s7 =	sld [smem:$0x3FB5]  }
0x2d: {  	s3 =	simm.s32 $0x108;
	s8 =	sld [smem:$0x3FB6]  }
0x2e: {  	s3 =	simm.s32 @!p0 $0x1082;
	s9 =	sld [smem:$0x3FB7]  }
0x2f: {  	lr =	sadd.s32 s0, s3;
	s0 =	sld [smem:$0x3FAE]  }
0x30: {  	s3 =	sld [smem:$0x3FB1]  }
0x31: {  	[smem:$0x3FBA] =	sst s10  }
0x32: {  	s10 =	sld [smem:$0x3FB8];
	_ =	sdelay $0x3  }
0x33: {  	p0 =	seq.s32 s10, $0x1;
	s10 =	sld [smem:$0x3FBA];
	_ =	sdelay $0x3  }
0x34: {  	[smem:$0x3FBA] =	sst s10  }
0x35: {  	s10 =	sld [smem:$0x3FB9];
	_ =	sdelay $0x3  }
0x36: {  	p1 =	seq.s32 s10, $0x1;
	s10 =	sld [smem:$0x3FBA];
	_ =	sdelay $0x3  }
0x37: {  	[smem:$0x3FBA] =	sst s10  }
0x38: {  	s10 =	sld [smem:$0x3FBB]  }
0x39: {  	_ = 	snop;
	(pc) =	sbr.ind lr, $3  }
0x3a: {  	_ = 	snop  }
0x3b: {  	_ = 	snop  }
0x3c: {  	p2 =	seq.s32 s10, $0x1;
	s10 =	sld [smem:$0x3FBA]  }
0x3d: {  	_ =	shalt  }
0x3e: {  	_ =	shalt  }
0x3f: {  	_ =	shalt  }
0x40: {  	_ =	shalt  }
0x41: {  	_ =	shalt  }
0x42: {  	_ =	shalt  }
0x43: {  	_ =	shalt  }
0x44: {  	_ =	shalt  }
0x45: {  	_ =	shalt  }
0x46: {  	_ =	shalt  }
0x47: {  	_ =	shalt  }
0x48: {  	_ =	shalt  }
0x49: {  	_ =	shalt  }
0x4a: {  	_ =	shalt  }
0x4b: {  	_ =	shalt  }
0x4c: {  	_ =	shalt  }
0x4d: {  	_ =	shalt  }
0x4e: {  	_ =	shalt  }
0x4f: {  	_ =	shalt  }
0x50: {  	_ =	shalt  }
0x51: {  	_ =	shalt  }
0x52: {  	_ =	shalt  }
0x53: {  	_ =	shalt  }
0x54: {  	_ =	shalt  }
0x55: {  	_ =	shalt  }
0x56: {  	_ =	shalt  }
0x57: {  	_ =	shalt  }
0x58: {  	_ =	shalt  }
0x59: {  	_ =	shalt  }
0x5a: {  	_ =	shalt  }
0x5b: {  	_ =	shalt  }
0x5c: {  	_ =	shalt  }
0x5d: {  	_ =	shalt  }
0x5e: {  	_ =	shalt  }
0x5f: {  	_ =	shalt  }
0x60: {  	_ =	shalt  }
0x61: {  	_ =	shalt  }
0x62: {  	_ =	shalt  }
0x63: {  	_ =	shalt  }
0x64: {  	_ =	shalt  }
0x65: {  	_ =	shalt  }
0x66: {  	_ =	shalt  }
0x67: {  	_ =	shalt  }
0x68: {  	_ =	shalt  }
0x69: {  	_ =	shalt  }
0x6a: {  	_ =	shalt  }
0x6b: {  	_ =	shalt  }
0x6c: {  	_ =	shalt  }
0x6d: {  	_ =	shalt  }
0x6e: {  	_ =	shalt  }
0x6f: {  	_ =	shalt  }
0x70: {  	_ =	shalt  }
0x71: {  	_ =	shalt  }
0x72: {  	_ =	shalt  }
0x73: {  	_ =	shalt  }
0x74: {  	_ =	shalt  }
0x75: {  	_ =	shalt  }
0x76: {  	_ =	shalt  }
0x77: {  	_ =	shalt  }
0x78: {  	_ =	shalt  }
0x79: {  	_ =	shalt  }
0x7a: {  	_ =	shalt  }
0x7b: {  	_ =	shalt  }
0x7c: {  	_ =	shalt  }
0x7d: {  	_ =	shalt  }
0x7e: {  	_ =	shalt  }
0x7f: {  	_ =	shalt  }
0x80: {  	_ =	shalt  }
0x81: {  	_ =	shalt  }
0x82: {  	_ =	shalt  }
0x83: {  	_ =	shalt  }
0x84: {  	_ =	shalt  }
0x85: {  	_ =	shalt  }
0x86: {  	_ =	shalt  }
0x87: {  	_ =	shalt  }
.Lfunc_end0:
.L_simem_size_0:
called_computation_lowered:
.L_overlay_start_0:
0x88: {  	s2 =	sld [smem:$0x3FD9]  }
0x89: {  	s3 =	sld [smem:$0x3FFE];
	_ =	sdelay $0x1  }
0x8a: {  	s1 =	srdreg.scid  }
0x8b: {  	s0 =	sand.u32 $0x1, s1  }
0x8c: {  	s17 =	sshll.u32 s0, $0xA;
	s2 =	sadd.s32 s3, s2  }
0x8d: {  	s2 =	sadd.s32 s2, s17  }
0x8e: {  	[smem:$0x3FC6] =	sst s2  }
0x8f: {  	_ = 	snop  }
0x90: {  	s2 =	sld [smem:$0x3FC9]  }
0x91: {  	s18 =	sld [smem:$0x3FC8];
	(tm) =	ssettm $0x1  }
0x92: {  	s4 =	sld [smem:$0x3FFB];
	_ =	sdelay $0x3  }
0x93: {  	_ =	strace s4  }
0x94: {  	s4 =	sld [smem:$0x3FFC];
	_ =	sdelay $0x3  }
0x95: {  	_ =	strace s4  }
0x96: {  	s4 =	sld [smem:$0x3FFD];
	_ =	sdelay $0x3  }
0x97: {  	_ =	strace s4  }
0x98: {  	_ =	strace $0x8FFFFFFF  }
0x99: {  	s19 =	sld [smem:$0x3FDB];
	_ =	sdelay $0x1  }
0x9a: {  	s5 =	simm.s32 $_scs_section_size  }
0x9b: {  	s6 =	simm.s32 $_size__tile_overlayer_lowered;
	s7 =	simm.s32 $_tile_overlayer_lowered  }
0x9c: {  	s22 =	simm.s32 $0x1BFF;
	s21 =	sshll.u32 s7, $0x1;
	s4 =	sadd.s32 s5, s19  }
0x9d: {  	s8 =	simm.s32 $0x0;
	s20 =	sshll.u32 s6, $0x1;
	s6 =	sadd.s32 s21, s4  }
0x9e: {  	[timem:s8], [sflag:s22] =	dma.local [hbm:s6], s20  }
0x9f: {  	_ =	swait.ge [sflag:s22], s20  }
0xa0: {  	s5 =	ssub.s32 $0x0, s20;
	[sflag:s22] =	ssyncset.done $0x0  }
0xa1: {  	[sflag:s22] =	ssyncadd.s32 s5;
	_ =	sdelay $0x1  }
0xa2: {  	s23 =	simm.s32 $0x1B8B  }
0xa3: {  	_ =	swait.ge [sflag:s23], $0x1  }
0xa4: {  	[sflag:s23] =	ssyncset.done $0x0  }
0xa5: {  	s25 =	simm.s32 $0x1B8E;
	s24 =	sld [smem:$0x3FFE];
	[sflag:s23] =	ssyncadd.s32 $0xFFFFFFFF  }
0xa6: {  	s26 =	simm.s32 $execute0_lowered;
	[smem:$0x3FD2] =	sst s25  }
0xa7: {  	s6 =	sshll.u32 s26, $0x1;
	_ =	strace $0x80000046;
	[dreg:$0x1] =	wrdreg $0xFFFFFFFF  }
0xa8: {  	s28 =	simm.s32 $_size_execute0_lowered;
	s4 =	sadd.s32 s4, s6;
	[dreg:$0x0] =	wrdreg $0x0  }
0xa9: {  	s6 =	sshll.u32 s28, $0x1;
	[dreg:$0x2] =	wrdreg s4  }
0xaa: {  	[dreg:$0x3] =	wrdreg s6  }
0xab: {  	[dreg:$0x4] =	wrdreg $0xC0  }
0xac: {  	_ =	task [dreg:s8], $0x5FFFF  }
0xad: {  	[dreg:$0x1] =	wrdreg $0xFFFFFFFF  }
0xae: {  	[dreg:$0x0] =	wrdreg $0x60  }
0xaf: {  	[dreg:$0x2] =	wrdreg s2  }
0xb0: {  	[dreg:$0x3] =	wrdreg s18  }
0xb1: {  	[dreg:$0x4] =	wrdreg s24  }
0xb2: {  	[dreg:$0x5] =	wrdreg $0x9  }
0xb3: {  	_ =	task.clear_ibuf [dreg:s8], $0x6FFFF;
	_ =	strace $0x90000046  }
0xb4: {  	s29 =	simm.s32 $0x9;
	_ =	strace $0x80000048  }
0xb5: {  	_ =	swait.ge [sflag:s29], $0x1  }
0xb6: {  	[sflag:s29] =	ssyncadd.s32 $0xFFFFFFFF  }
0xb7: {  	_ =	strace $0x90000048  }
0xb8: {  	_ =	sfence  }
0xb9: {  	s30 =	sld [smem:$0x0];
	_ =	sdelay $0x2  }
0xba: {  	s31 =	sshll.u32 s1, $0xD;
	s1 =	sshrl.u32 s1, $0x2  }
0xbb: {  	s3 =	sand.u32 $0x4000, s31;
	s1 =	sadd.s32 s1, s30  }
0xbc: {  	s0 =	sor.u32 s3, s0;
	s1 =	sshll.u32 s1, $0x11  }
0xbd: {  	s0 =	sor.u32 s1, s0  }
0xbe: {  	s0 =	sadd.s32 $0x8F2B, s0  }
0xbf: {  	[sflag:s0] =	ssyncadd.remote.s32 $0x1  }
0xc0: {  	_ =	sfence.sel $0xFFFF  }
0xc1: {  	[dreg:$0x0] =	wrdreg $0xFFFFFFFF;
	(pc) =	sbr.abs _section_cstart, $3  }
0xc2: {  	[dreg:$0x1] =	wrdreg $0xFFFFFFFF  }
0xc3: {  	_ =	task.clear_ibuf [dreg:s8], $0x2FFFF;
	_ =	strace $0x9FFFFFFF  }
0xc4: {  	(tm) =	ssettm $0x7FFFFFFF  }
0xc5: {  	_ =	shalt  }
tec
execute0_lowered:
.L_overlay_start_1:
0x0: {  	(tag) =	ssettag $0x1  }
0x1: {  	s2 =	rddreg [dreg:$0x0]  }
0x2: {  	s0 =	rddreg [dreg:$0x1];
	s11 =	stileid.u32  }
0x3: {  	s1 =	rddreg [dreg:$0x2];
	s3 =	srdreg.scid;
	s28 =	simm.s32 $0x12C80  }
0x4: {  	s29 =	simm.s32 $0x2;
	s30 =	simm.s32 $0x3;
	s31 =	simm.s32 $0x4  }
0x5: {  	s4 =	sshll.u32 s11, $0x1;
	s5 =	sand.u32 $0x1, s3;
	s3 =	simm.s32 $0x0  }
0x6: {  	s6 =	sshrl.u32 s11, $0x1;
	s21 =	sand.u32 $0x1, s11;
	s4 =	sand.u32 $0x2, s4  }
0x7: {  	[smem:$0x7FF] =	sst s3;
	s7 =	sshll.u32 s6, $0x6;
	s15 =	ssub.s32 $0x2, s5  }
0x8: {  	s10 =	sshll.u32 s6, $0x4;
	s12 =	smul.u32 $0x2710, s21;
	s21 =	simm.s32 $0x400  }
0x9: {  	s4 =	sor.u32 s5, s4;
	_ =	strace $0x80000047;
	s5 =	smul.u32 $0x1388, s5  }
0xa: {  	s16 =	sshrl.u32 s15, $0x1;
	s8 =	sshll.u32 s4, $0x4;
	s9 =	smul.u32 $0x1388, s4  }
0xb: {  	s0 =	sadd.s32 s0, s10;
	s18 =	smul.u32 $0x4E2000, s4;
	s7 =	sor.u32 s7, s8  }
0xc: {  	[dreg:$0x4] =	wrdreg s0;
	s24 =	sadd.s32 s5, s12;
	s1 =	sadd.s32 s7, s1  }
0xd: {  	s7 =	ssub.s32 s15, s16;
	s17 =	sor.u32 s6, s9;
	s6 =	sshll.u32 s6, $0xA  }
0xe: {  	s26 =	sadd.s32 $0x13880, s24;
	s8 =	sadd.s32 $0x13948, s24;
	s4 =	sadd.s32 $0x13880, s17  }
0xf: {  	s6 =	sor.u32 s6, s18;
	s9 =	sadd.s32 $0x13BA0, s17;
	s10 =	sadd.s32 $0x13C68, s17  }
0x10: {  	s11 =	sadd.s32 $0x13D30, s17;
	s23 =	sadd.s32 $0x200, s1;
	[dreg:$0xb] =	wrdreg s26  }
0x11: {  	s1 =	sadd.s32 $0x400, s1;
	s25 =	smax.u32 s7, $0x1;
	[dreg:$0x8] =	wrdreg s23  }
0x12: {  	s26 =	simm.s32 $0x1;
	s19 =	sshll.u32 s4, $0x7;
	[dreg:$0x9] =	wrdreg s1  }
0x13: {  	s20 =	sadd.s32 $0x4E52000, s6;
	s6 =	sadd.s32 $0x4E84000, s6;
	[dreg:$0xa] =	wrdreg s25  }
0x14: {  	s1 =	sadd.s32 $0x13A10, s24;
	s25 =	sadd.s32 $0x13AD8, s24;
	s0 =	sadd.s32 s2, s19  }
0x15: {  	s23 =	simm.s32 $0x80;
	[dreg:$0x5] =	wrdreg s0;
	s0 =	sshrl.u32 s20, $0x3  }
0x16: {  	s22 =	sshrl.u32 s6, $0x3;
	s19 =	sadd.s32 $0x14B40, s24;
	s0 =	sadd.s32 s2, s0  }
0x17: {  	s24 =	simm.s32 $0x0;
	[dreg:$0x6] =	wrdreg s0;
	s0 =	sadd.s32 s2, s22  }
0x18: {  	s20 =	simm.s32 $0x5;
	s22 =	simm.s32 $0x2000;
	[dreg:$0x7] =	wrdreg s0  }
.LBB2_1:
0x19: {  	s0 =	rddreg [dreg:$0x4]  }
0x1a: {  	[tilespmem:s3], [sflag:$0x5] =	stream.linear.gather [hbm4b:s0+s3], $0x80, $0x38;
	[tilespmem:$0x19180] =	vst v63  }
0x1b: {  	_ =	swait.ge [sflag:s20], $0x80  }
0x1c: {  	[sflag:s20] =	ssyncset.done $0x0  }
0x1d: {  	[sflag:s20] =	ssyncadd.s32 $0xFFFFFF80  }
0x1e: {  	v2 =	vld [tilespmem:$0x0]  }
0x1f: {  	v3 =	vld [tilespmem:$0x10]  }
0x20: {  	v4 =	vld [tilespmem:$0x20]  }
0x21: {  	v5 =	vld [tilespmem:$0x30]  }
0x22: {  	v6 =	vld [tilespmem:$0x40]  }
0x23: {  	v7 =	vld [tilespmem:$0x50]  }
0x24: {  	s15 =	rddreg [dreg:$0x5];
	v1 =	vld [tilespmem:$0x60]  }
0x25: {  	v8 =	vimm.f32 $-Inf;
	v0 =	vld [tilespmem:$0x70];
	[tilespmem:s23], [sflag:$0x1] =	stream.strided.gather [hbm4b:s15+s21], $0x6400, s22, s21, $0x38  }
0x26: {  	s5 =	simm.s32 $0x6480;
	v9 =	vimm.f32 $-Inf;
	v11 =	vimm.f32 $-Inf;
	v13 =	vimm.f32 $-Inf;
	s18 =	simm.s32 $0xC880;
	s16 =	rddreg [dreg:$0x6]  }
0x27: {  	v14 =	vimm.f32 $-Inf;
	v16 =	vimm.f32 $-Inf;
	v18 =	vimm.f32 $-Inf;
	[tilespmem:s5], [sflag:$0x2] =	stream.strided.gather [hbm4b:s16+s21], $0x6400, s22, s21, $0x38;
	[tilespmem:$0x19180] =	vst v63  }
0x28: {  	v20 =	vimm.f32 $-Inf;
	v10 =	vimm.f32 $-Inf;
	v12 =	vimm.f32 $-Inf;
	s6 =	simm.s32 $0x0;
	s0 =	smov.u32 s8;
	s17 =	rddreg [dreg:$0x7]  }
0x29: {  	v15 =	vimm.f32 $-Inf;
	v17 =	vimm.f32 $-Inf;
	v19 =	vimm.f32 $-Inf;
	[tilespmem:s18], [sflag:$0x3] =	stream.strided.gather [hbm4b:s17+s21], $0x6400, s22, s21, $0x38;
	[tilespmem:$0x19180] =	vst v63  }
0x2a: {  	v21 =	vimm.f32 $-Inf;
	v22 =	vimm.f32 $-Inf;
	v23 =	vimm.f32 $-Inf;
	s15 =	rddreg [dreg:$0xb];
	s18 =	smov.u32 s25;
	s17 =	smov.u32 s1  }
.LBB2_2:
0x2b: {  	s7 =	smul.u32 $0x320, s6;
	_ =	sdelay $0x1  }
0x2c: {  	s12 =	sadd.s32 s4, s7  }
0x2d: {  	s12 =	sshll.u32 s12, $0x7  }
0x2e: {  	_ =	swait.ge [sflag:s26], $0x6400;
	s12 =	sadd.s32 $0x12C00, s12  }
0x2f: {  	[sflag:s26] =	ssyncset.done $0x0;
	s12 =	sand.u32 $0x1FFFFF80, s12  }
0x30: {  	[sflag:s26] =	ssyncadd.s32 $0xFFFF9C00;
	s12 =	sadd.s32 s2, s12  }
0x31: {  	[tilespmem:s28], [sflag:$0x4] =	stream.strided.gather [hbm4b:s12+s21], $0x6400, s22, s21, $0x38;
	[tilespmem:$0x19180] =	vst v63  }
0x32: {  	s12 =	simm.s32 $0xC0  }
0x33: {  	v29 =	vld [tilespmem:s12+$0xFFFFFFC0]  }
0x34: {  	v32 =	vld [tilespmem:s12+$0xFFFFFFD0]  }
0x35: {  	v34 =	vld [tilespmem:s12+$0xFFFFFFE0]  }
0x36: {  	v35 =	vld [tilespmem:s12+$0xFFFFFFF0]  }
0x37: {  	v24 =	vld [tilespmem:s12+$0x0]  }
0x38: {  	s16 =	sadd.s32 $0x0, s15;
	v26 =	vld [tilespmem:s12+$0x10]  }
0x39: {  	vm1 =	veq.s32 v2, s16;
	vm2 =	veq.s32 v3, s16;
	vm0 =	veq.s32 v4, s16;
	v27 =	vld [tilespmem:s12+$0x20]  }
0x3a: {  	s13 =	simm.s32 $0x1;
	vm4 =	veq.s32 v5, s16;
	vm5 =	veq.s32 v6, s16;
	vm3 =	veq.s32 v7, s16;
	v30 =	vld [tilespmem:s12+$0x30]  }
.LBB2_3:
0x3b: {  	p0 =	sne.s32 s13, $0xC7;
	v25 =	vmax.f32 v23, v29;
	v28 =	vmax.f32 v22, v32;
	vm6 =	veq.s32 v1, s16;
	v31 =	vmovc v35  }
0x3c: {  	vm7 =	veq.s32 v0, s16;
	v23 =	vsel vm1, v23, v25;
	v22 =	vsel vm2, v22, v28  }
0x3d: {  	s12 =	sadd.s32 $0x80, s12;
	v25 =	vmax.f32 v21, v34;
	v28 =	vmax.f32 v19, v31;
	v33 =	vmax.f32 v17, v24  }
0x3e: {  	v21 =	vsel vm0, v21, v25;
	v19 =	vsel vm4, v19, v28;
	v17 =	vsel vm5, v17, v33;
	v36 =	vld [tilespmem:s12+$0xFFFFFFC0]  }
0x3f: {  	v28 =	vmax.f32 v15, v26;
	v33 =	vmax.f32 v12, v27;
	v25 =	vld [tilespmem:s12+$0xFFFFFFD0];
	v35 =	vmax.f32 v10, v30  }
0x40: {  	v15 =	vsel vm3, v15, v28;
	v12 =	vsel vm6, v12, v33;
	v37 =	vld [tilespmem:s12+$0xFFFFFFE0];
	v10 =	vsel vm7, v10, v35  }
.Ltmp0:
0x41: {  	v20 =	vsel vm1, v29, v20;
	v18 =	vsel vm2, v32, v18;
	v16 =	vsel vm0, v34, v16;
	v35 =	vld [tilespmem:s12+$0xFFFFFFF0];
	(pc) =	sbr.rel @p0 .LBB2_3-.Ltmp0, $4  }
0x42: {  	v14 =	vsel vm4, v31, v14;
	v13 =	vsel vm5, v24, v13;
	v11 =	vsel vm3, v26, v11;
	v24 =	vld [tilespmem:s12+$0x0]  }
0x43: {  	s16 =	sadd.s32 s13, s15;
	v9 =	vsel vm6, v27, v9;
	v8 =	vsel vm7, v30, v8;
	v26 =	vld [tilespmem:s12+$0x10];
	v29 =	vmov v36  }
0x44: {  	vm1 =	veq.s32 v2, s16;
	vm2 =	veq.s32 v3, s16;
	vm0 =	veq.s32 v4, s16;
	v27 =	vld [tilespmem:s12+$0x20];
	v32 =	vmovc v25  }
0x45: {  	s13 =	sadd.s32 $0x1, s13;
	vm4 =	veq.s32 v5, s16;
	vm5 =	veq.s32 v6, s16;
	vm3 =	veq.s32 v7, s16;
	v30 =	vld [tilespmem:s12+$0x30];
	v34 =	vmovc v37  }
0x46: {  	s12 =	sadd.s32 s7, s9  }
0x47: {  	_ =	swait.ge [sflag:s29], $0x6400;
	s12 =	sshll.u32 s12, $0x7  }
0x48: {  	[sflag:s29] =	ssyncset.done $0x0;
	s12 =	sand.u32 $0x1FFFFF80, s12  }
0x49: {  	v25 =	vmax.f32 v23, v29;
	v28 =	vmax.f32 v22, v32;
	[sflag:s29] =	ssyncadd.s32 $0xFFFF9C00;
	s12 =	sadd.s32 s2, s12  }
0x4a: {  	vm6 =	veq.s32 v1, s16;
	vm7 =	veq.s32 v0, s16;
	v20 =	vsel vm1, v29, v20;
	[tilespmem:s23], [sflag:$0x1] =	stream.strided.gather [hbm4b:s12+s21], $0x6400, s22, s21, $0x38;
	[tilespmem:$0x19180] =	vst v63  }
0x4b: {  	v23 =	vsel vm1, v23, v25;
	v22 =	vsel vm2, v22, v28;
	v25 =	vmax.f32 v21, v34;
	s12 =	simm.s32 $0x0  }
0x4c: {  	v28 =	vmax.f32 v19, v35;
	v31 =	vmax.f32 v17, v24;
	v21 =	vsel vm0, v21, v25;
	v25 =	vld [tilespmem:s12+$0x6480]  }
0x4d: {  	v19 =	vsel vm4, v19, v28;
	v17 =	vsel vm5, v17, v31;
	v31 =	vmax.f32 v15, v26;
	v28 =	vld [tilespmem:s12+$0x6490]  }
0x4e: {  	v18 =	vsel vm2, v32, v18;
	v33 =	vmax.f32 v12, v27;
	v15 =	vsel vm3, v15, v31;
	v31 =	vld [tilespmem:s12+$0x64A0]  }
0x4f: {  	v16 =	vsel vm0, v34, v16;
	v14 =	vsel vm4, v35, v14;
	v12 =	vsel vm6, v12, v33;
	v33 =	vld [tilespmem:s12+$0x64B0]  }
0x50: {  	v13 =	vsel vm5, v24, v13;
	vm1 =	veq.s32 v2, s0;
	vm2 =	veq.s32 v3, s0;
	v24 =	vld [tilespmem:s12+$0x64C0]  }
0x51: {  	v11 =	vsel vm3, v26, v11;
	v9 =	vsel vm6, v27, v9;
	v36 =	vmax.f32 v10, v30;
	v27 =	vld [tilespmem:s12+$0x64D0]  }
0x52: {  	s13 =	simm.s32 $0x200;
	s16 =	smov.u32 s0;
	vm0 =	veq.s32 v4, s0;
	v8 =	vsel vm7, v30, v8;
	v10 =	vsel vm7, v10, v36;
	v30 =	vld [tilespmem:s12+$0x64E0]  }
.LBB2_5:
0x53: {  	p0 =	sne.s32 s13, $0x18E00;
	vm4 =	veq.s32 v5, s16;
	vm5 =	veq.s32 v6, s16;
	vm3 =	veq.s32 v7, s16;
	v26 =	vld [tilespmem:s12+$0x64F0];
	v29 =	vmovc v31  }
0x54: {  	v31 =	vmax.f32 v23, v25;
	v32 =	vmax.f32 v22, v28;
	vm6 =	veq.s32 v1, s16;
	v34 =	vmovc v33  }
0x55: {  	vm7 =	veq.s32 v0, s16;
	v23 =	vsel vm1, v23, v31;
	v22 =	vsel vm2, v22, v32  }
0x56: {  	s12 =	sshra.s32 s13, $0x2;
	v31 =	vmax.f32 v21, v29;
	v32 =	vmax.f32 v19, v34;
	v33 =	vmax.f32 v17, v24  }
0x57: {  	v21 =	vsel vm0, v21, v31;
	v19 =	vsel vm4, v19, v32;
	v17 =	vsel vm5, v17, v33;
	v35 =	vld [tilespmem:s12+$0x6480]  }
0x58: {  	v33 =	vmax.f32 v15, v27;
	v36 =	vmax.f32 v12, v30;
	v32 =	vld [tilespmem:s12+$0x6490];
	v37 =	vmax.f32 v10, v26  }
.Ltmp1:
0x59: {  	v15 =	vsel vm3, v15, v33;
	v12 =	vsel vm6, v12, v36;
	v31 =	vld [tilespmem:s12+$0x64A0];
	v10 =	vsel vm7, v10, v37;
	(pc) =	sbr.rel @p0 .LBB2_5-.Ltmp1, $4  }
0x5a: {  	v20 =	vsel vm1, v25, v20;
	v18 =	vsel vm2, v28, v18;
	v16 =	vsel vm0, v29, v16;
	v33 =	vld [tilespmem:s12+$0x64B0]  }
0x5b: {  	v14 =	vsel vm4, v34, v14;
	v13 =	vsel vm5, v24, v13;
	v11 =	vsel vm3, v27, v11;
	v24 =	vld [tilespmem:s12+$0x64C0]  }
0x5c: {  	s16 =	sadd.s32 $0x1, s16;
	v9 =	vsel vm6, v30, v9;
	v8 =	vsel vm7, v26, v8;
	v27 =	vld [tilespmem:s12+$0x64D0];
	v25 =	vmov v35  }
0x5d: {  	s13 =	sadd.s32 $0x200, s13;
	vm1 =	veq.s32 v2, s16;
	vm2 =	veq.s32 v3, s16;
	vm0 =	veq.s32 v4, s16;
	v30 =	vld [tilespmem:s12+$0x64E0];
	v28 =	vmovc v32  }
0x5e: {  	p0 =	seq.s32 s6, $0x5  }
0x5f: {  	v35 =	vld [tilespmem:s12+$0x64F0];
	_ =	swait.ge [sflag:s30], $0x6400;
	s12 =	sadd.s32 @!p0 s7, s10  }
0x60: {  	[sflag:s30] =	ssyncset.done $0x0;
	s12 =	sshll.u32 @!p0 s12, $0x7  }
0x61: {  	vm3 =	veq.s32 v5, s16;
	vm4 =	veq.s32 v6, s16;
	s13 =	simm.s32 @!p0 $0x400;
	s14 =	simm.s32 @!p0 $0x2000;
	s12 =	sand.u32 @!p0 $0x1FFFFF80, s12  }
0x62: {  	vm5 =	veq.s32 v7, s16;
	v26 =	vmax.f32 v23, v25;
	v29 =	vmax.f32 v22, v28;
	s5 =	simm.s32 @!p0 $0x6480;
	[sflag:s30] =	ssyncadd.s32 $0xFFFF9C00;
	s12 =	sadd.s32 @!p0 s2, s12  }
0x63: {  	vm6 =	veq.s32 v1, s16;
	vm7 =	veq.s32 v0, s16;
	v20 =	vsel vm1, v25, v20;
	[tilespmem:s5], [sflag:$0x2] =	stream.strided.gather @!p0 [hbm4b:s12+s13], $0x6400, s14, s13, $0x38;
	[tilespmem:$0x19180] =	vst v63  }
0x64: {  	v18 =	vsel vm2, v28, v18;
	v23 =	vsel vm1, v23, v26;
	v26 =	vmax.f32 v21, v31;
	s12 =	simm.s32 $0x0  }
0x65: {  	v22 =	vsel vm2, v22, v29;
	v29 =	vmax.f32 v19, v33;
	v21 =	vsel vm0, v21, v26;
	v26 =	vld [tilespmem:s12+$0xC880]  }
0x66: {  	v16 =	vsel vm0, v31, v16;
	v32 =	vmax.f32 v17, v24;
	v19 =	vsel vm3, v19, v29;
	v29 =	vld [tilespmem:s12+$0xC890]  }
0x67: {  	v14 =	vsel vm3, v33, v14;
	v17 =	vsel vm4, v17, v32;
	v34 =	vmax.f32 v12, v30;
	v32 =	vld [tilespmem:s12+$0xC8A0]  }
0x68: {  	vm1 =	veq.s32 v2, s17;
	vm2 =	veq.s32 v3, s17;
	v12 =	vsel vm6, v12, v34;
	v34 =	vld [tilespmem:s12+$0xC8B0]  }
0x69: {  	v13 =	vsel vm4, v24, v13;
	vm0 =	veq.s32 v4, s17;
	v63 =	vmax.f32 v15, v27;
	v24 =	vld [tilespmem:s12+$0xC8C0]  }
0x6a: {  	v11 =	vsel vm5, v27, v11;
	v15 =	vsel vm5, v15, v63;
	v36 =	vmax.f32 v10, v35;
	v25 =	vld [tilespmem:s12+$0xC8D0]  }
0x6b: {  	s16 =	smov.u32 s17;
	v9 =	vsel vm6, v30, v9;
	v8 =	vsel vm7, v35, v8;
	s13 =	simm.s32 $0x200;
	v10 =	vsel vm7, v10, v36;
	v27 =	vld [tilespmem:s12+$0xC8E0]  }
.LBB2_7:
0x6c: {  	p1 =	sne.s32 s13, $0x18E00;
	vm4 =	veq.s32 v5, s16;
	vm5 =	veq.s32 v6, s16;
	vm3 =	veq.s32 v7, s16;
	v28 =	vld [tilespmem:s12+$0xC8F0];
	v30 =	vmovc v32  }
0x6d: {  	v31 =	vmax.f32 v23, v26;
	v32 =	vmax.f32 v22, v29;
	vm6 =	veq.s32 v1, s16;
	v33 =	vmovc v34  }
0x6e: {  	vm7 =	veq.s32 v0, s16;
	v23 =	vsel vm1, v23, v31;
	v22 =	vsel vm2, v22, v32  }
0x6f: {  	s12 =	sshra.s32 s13, $0x2;
	v31 =	vmax.f32 v21, v30;
	v32 =	vmax.f32 v19, v33;
	v34 =	vmax.f32 v17, v24  }
0x70: {  	v21 =	vsel vm0, v21, v31;
	v19 =	vsel vm4, v19, v32;
	v17 =	vsel vm5, v17, v34;
	v35 =	vld [tilespmem:s12+$0xC880]  }
0x71: {  	v34 =	vmax.f32 v15, v25;
	v36 =	vmax.f32 v12, v27;
	v31 =	vld [tilespmem:s12+$0xC890];
	v37 =	vmax.f32 v10, v28  }
.Ltmp2:
0x72: {  	v15 =	vsel vm3, v15, v34;
	v12 =	vsel vm6, v12, v36;
	v32 =	vld [tilespmem:s12+$0xC8A0];
	v10 =	vsel vm7, v10, v37;
	(pc) =	sbr.rel @p1 .LBB2_7-.Ltmp2, $4  }
0x73: {  	v20 =	vsel vm1, v26, v20;
	v18 =	vsel vm2, v29, v18;
	v16 =	vsel vm0, v30, v16;
	v34 =	vld [tilespmem:s12+$0xC8B0]  }
0x74: {  	v14 =	vsel vm4, v33, v14;
	v13 =	vsel vm5, v24, v13;
	v11 =	vsel vm3, v25, v11;
	v24 =	vld [tilespmem:s12+$0xC8C0]  }
0x75: {  	s16 =	sadd.s32 $0x1, s16;
	v9 =	vsel vm6, v27, v9;
	v8 =	vsel vm7, v28, v8;
	v25 =	vld [tilespmem:s12+$0xC8D0];
	v26 =	vmov v35  }
0x76: {  	s13 =	sadd.s32 $0x200, s13;
	vm1 =	veq.s32 v2, s16;
	vm2 =	veq.s32 v3, s16;
	vm0 =	veq.s32 v4, s16;
	v27 =	vld [tilespmem:s12+$0xC8E0];
	v29 =	vmovc v31  }
0x77: {  	s5 =	sadd.s32 @!p0 s7, s11  }
0x78: {  	v33 =	vld [tilespmem:s12+$0xC8F0];
	_ =	swait.ge [sflag:s31], $0x6400;
	s7 =	simm.s32 @!p0 $0x400;
	s5 =	sshll.u32 @!p0 s5, $0x7  }
0x79: {  	vm3 =	veq.s32 v5, s16;
	vm4 =	veq.s32 v6, s16;
	s12 =	simm.s32 @!p0 $0x2000;
	[sflag:s31] =	ssyncset.done $0x0;
	s5 =	sand.u32 @!p0 $0x1FFFFF80, s5  }
0x7a: {  	vm5 =	veq.s32 v7, s16;
	v28 =	vmax.f32 v23, v26;
	v30 =	vmax.f32 v22, v29;
	s13 =	simm.s32 @!p0 $0xC880;
	[sflag:s31] =	ssyncadd.s32 $0xFFFF9C00;
	s5 =	sadd.s32 @!p0 s2, s5  }
0x7b: {  	vm6 =	veq.s32 v1, s16;
	vm7 =	veq.s32 v0, s16;
	v20 =	vsel vm1, v26, v20;
	[tilespmem:s13], [sflag:$0x3] =	stream.strided.gather @!p0 [hbm4b:s5+s7], $0x6400, s12, s7, $0x38;
	[tilespmem:$0x19180] =	vst v63  }
0x7c: {  	v23 =	vsel vm1, v23, v28;
	v22 =	vsel vm2, v22, v30;
	v28 =	vmax.f32 v21, v32;
	s7 =	simm.s32 $0x0  }
0x7d: {  	v30 =	vmax.f32 v19, v34;
	v31 =	vmax.f32 v17, v24;
	v21 =	vsel vm0, v21, v28;
	v28 =	vld [tilespmem:s7+$0x12C80]  }
0x7e: {  	v19 =	vsel vm3, v19, v30;
	v17 =	vsel vm4, v17, v31;
	v31 =	vmax.f32 v15, v25;
	v30 =	vld [tilespmem:s7+$0x12C90]  }
0x7f: {  	v18 =	vsel vm2, v29, v18;
	v16 =	vsel vm0, v32, v16;
	v15 =	vsel vm5, v15, v31;
	v31 =	vld [tilespmem:s7+$0x12CA0]  }
0x80: {  	v14 =	vsel vm3, v34, v14;
	vm1 =	veq.s32 v2, s18;
	vm2 =	veq.s32 v3, s18;
	v29 =	vld [tilespmem:s7+$0x12CB0]  }
0x81: {  	v13 =	vsel vm4, v24, v13;
	vm0 =	veq.s32 v4, s18;
	v11 =	vsel vm5, v25, v11;
	v24 =	vld [tilespmem:s7+$0x12CC0]  }
0x82: {  	v35 =	vmax.f32 v12, v27;
	v9 =	vsel vm6, v27, v9;
	v36 =	vmax.f32 v10, v33;
	v25 =	vld [tilespmem:s7+$0x12CD0]  }
0x83: {  	s13 =	simm.s32 $0x200;
	s12 =	smov.u32 s18;
	v12 =	vsel vm6, v12, v35;
	v8 =	vsel vm7, v33, v8;
	v26 =	vld [tilespmem:s7+$0x12CE0];
	v10 =	vsel vm7, v10, v36  }
.LBB2_9:
0x84: {  	p0 =	sne.s32 s13, $0x18E00;
	vm4 =	veq.s32 v5, s12;
	vm5 =	veq.s32 v6, s12;
	vm3 =	veq.s32 v7, s12;
	v27 =	vld [tilespmem:s7+$0x12CF0];
	v32 =	vmovc v31  }
0x85: {  	v31 =	vmax.f32 v23, v28;
	v33 =	vmax.f32 v22, v30;
	vm6 =	veq.s32 v1, s12;
	v34 =	vmovc v29  }
0x86: {  	vm7 =	veq.s32 v0, s12;
	v23 =	vsel vm1, v23, v31;
	v22 =	vsel vm2, v22, v33  }
0x87: {  	s7 =	sshra.s32 s13, $0x2;
	v29 =	vmax.f32 v21, v32;
	v31 =	vmax.f32 v19, v34;
	v33 =	vmax.f32 v17, v24  }
0x88: {  	v21 =	vsel vm0, v21, v29;
	v19 =	vsel vm4, v19, v31;
	v17 =	vsel vm5, v17, v33;
	v35 =	vld [tilespmem:s7+$0x12C80]  }
0x89: {  	v29 =	vmax.f32 v15, v25;
	v36 =	vmax.f32 v12, v26;
	v33 =	vld [tilespmem:s7+$0x12C90];
	v37 =	vmax.f32 v10, v27  }
.Ltmp3:
0x8a: {  	v15 =	vsel vm3, v15, v29;
	v12 =	vsel vm6, v12, v36;
	v31 =	vld [tilespmem:s7+$0x12CA0];
	v10 =	vsel vm7, v10, v37;
	(pc) =	sbr.rel @p0 .LBB2_9-.Ltmp3, $4  }
0x8b: {  	v20 =	vsel vm1, v28, v20;
	v18 =	vsel vm2, v30, v18;
	v16 =	vsel vm0, v32, v16;
	v29 =	vld [tilespmem:s7+$0x12CB0]  }
0x8c: {  	v14 =	vsel vm4, v34, v14;
	v13 =	vsel vm5, v24, v13;
	v11 =	vsel vm3, v25, v11;
	v24 =	vld [tilespmem:s7+$0x12CC0]  }
0x8d: {  	s12 =	sadd.s32 $0x1, s12;
	v9 =	vsel vm6, v26, v9;
	v8 =	vsel vm7, v27, v8;
	v25 =	vld [tilespmem:s7+$0x12CD0];
	v28 =	vmov v35  }
0x8e: {  	s13 =	sadd.s32 $0x200, s13;
	vm1 =	veq.s32 v2, s12;
	vm2 =	veq.s32 v3, s12;
	vm0 =	veq.s32 v4, s12;
	v26 =	vld [tilespmem:s7+$0x12CE0];
	v30 =	vmovc v33  }
0x8f: {  	vm3 =	veq.s32 v5, s12;
	vm4 =	veq.s32 v6, s12  }
0x90: {  	vm5 =	veq.s32 v7, s12;
	v32 =	vmax.f32 v23, v28;
	v33 =	vmax.f32 v22, v30  }
0x91: {  	vm6 =	veq.s32 v1, s12;
	vm7 =	veq.s32 v0, s12;
	v59 =	vmax.f32 v21, v31  }
0x92: {  	v27 =	vld [tilespmem:s7+$0x12CF0];
	v20 =	vsel vm1, v28, v20;
	v18 =	vsel vm2, v30, v18;
	s6 =	sadd.s32 $0x1, s6;
	v16 =	vsel vm0, v31, v16  }
0x93: {  	v23 =	vsel vm1, v23, v32;
	v22 =	vsel vm2, v22, v33;
	v60 =	vmax.f32 v19, v29;
	p0 =	sne.s32 s6, $0x6  }
.Ltmp4:
0x94: {  	v21 =	vsel vm0, v21, v59;
	v14 =	vsel vm3, v29, v14;
	v34 =	vmax.f32 v17, v24;
	(pc) =	sbr.rel @p0 .LBB2_2-.Ltmp4, $4  }
0x95: {  	v19 =	vsel vm3, v19, v60;
	v13 =	vsel vm4, v24, v13;
	v17 =	vsel vm4, v17, v34  }
0x96: {  	v61 =	vmax.f32 v15, v25;
	v11 =	vsel vm5, v25, v11;
	v62 =	vmax.f32 v12, v26  }
0x97: {  	s15 =	sadd.s32 $0x320, s15;
	v15 =	vsel vm5, v15, v61;
	v9 =	vsel vm6, v26, v9;
	v63 =	vmax.f32 v10, v27  }
0x98: {  	s0 =	sadd.s32 $0x320, s0;
	s17 =	sadd.s32 $0x320, s17;
	s18 =	sadd.s32 $0x320, s18;
	v12 =	vsel vm6, v12, v62;
	v8 =	vsel vm7, v27, v8;
	v10 =	vsel vm7, v10, v63  }
0x99: {  	_ =	swait.ge [sflag:s26], $0x6400  }
0x9a: {  	[sflag:s26] =	ssyncset.done $0x0  }
0x9b: {  	s0 =	simm.s32 $0xC0;
	[sflag:s26] =	ssyncadd.s32 $0xFFFF9C00  }
0x9c: {  	v28 =	vld [tilespmem:s0+$0xFFFFFFC0]  }
0x9d: {  	v29 =	vld [tilespmem:s0+$0xFFFFFFD0]  }
0x9e: {  	v31 =	vld [tilespmem:s0+$0xFFFFFFE0]  }
0x9f: {  	v30 =	vld [tilespmem:s0+$0xFFFFFFF0]  }
0xa0: {  	v25 =	vld [tilespmem:s0+$0x0]  }
0xa1: {  	s6 =	sadd.s32 $0x0, s19;
	v24 =	vld [tilespmem:s0+$0x10]  }
0xa2: {  	vm5 =	veq.s32 v2, s6;
	vm4 =	veq.s32 v3, s6;
	vm3 =	veq.s32 v4, s6;
	v26 =	vld [tilespmem:s0+$0x20]  }
0xa3: {  	s7 =	simm.s32 $0x1;
	vm2 =	veq.s32 v5, s6;
	vm1 =	veq.s32 v6, s6;
	vm0 =	veq.s32 v7, s6;
	v27 =	vld [tilespmem:s0+$0x30]  }
.LBB2_12:
0xa4: {  	p0 =	sne.s32 s7, $0xC7;
	v32 =	vmax.f32 v23, v28;
	v33 =	vmax.f32 v22, v29;
	vm6 =	veq.s32 v1, s6;
	v34 =	vmovc v30  }
0xa5: {  	vm7 =	veq.s32 v0, s6;
	v23 =	vsel vm5, v23, v32;
	v22 =	vsel vm4, v22, v33  }
0xa6: {  	v30 =	vmax.f32 v21, v31;
	s0 =	sadd.s32 $0x80, s0;
	v32 =	vmax.f32 v19, v34;
	v33 =	vmax.f32 v17, v25  }
0xa7: {  	v21 =	vsel vm3, v21, v30;
	v19 =	vsel vm2, v19, v32;
	v17 =	vsel vm1, v17, v33;
	v35 =	vld [tilespmem:s0+$0xFFFFFFC0]  }
0xa8: {  	v30 =	vmax.f32 v15, v24;
	v33 =	vmax.f32 v12, v26;
	v32 =	vld [tilespmem:s0+$0xFFFFFFD0];
	v36 =	vmax.f32 v10, v27  }
0xa9: {  	v15 =	vsel vm0, v15, v30;
	v12 =	vsel vm6, v12, v33;
	v37 =	vld [tilespmem:s0+$0xFFFFFFE0];
	v10 =	vsel vm7, v10, v36  }
.Ltmp5:
0xaa: {  	v20 =	vsel vm5, v28, v20;
	v18 =	vsel vm4, v29, v18;
	v16 =	vsel vm3, v31, v16;
	v30 =	vld [tilespmem:s0+$0xFFFFFFF0];
	(pc) =	sbr.rel @p0 .LBB2_12-.Ltmp5, $4  }
0xab: {  	v14 =	vsel vm2, v34, v14;
	v13 =	vsel vm1, v25, v13;
	v11 =	vsel vm0, v24, v11;
	v25 =	vld [tilespmem:s0+$0x0]  }
0xac: {  	s6 =	sadd.s32 s7, s19;
	v9 =	vsel vm6, v26, v9;
	v8 =	vsel vm7, v27, v8;
	v24 =	vld [tilespmem:s0+$0x10];
	v28 =	vmov v35  }
0xad: {  	vm5 =	veq.s32 v2, s6;
	vm4 =	veq.s32 v3, s6;
	vm3 =	veq.s32 v4, s6;
	v26 =	vld [tilespmem:s0+$0x20];
	v29 =	vmovc v32  }
0xae: {  	s7 =	sadd.s32 $0x1, s7;
	vm2 =	veq.s32 v5, s6;
	vm1 =	veq.s32 v6, s6;
	vm0 =	veq.s32 v7, s6;
	v27 =	vld [tilespmem:s0+$0x30];
	v31 =	vmovc v37  }
0xaf: {  	v4 =	vsel vm5, v28, v20  }
0xb0: {  	v48 =	vsel vm4, v29, v18;
	[tilespmem:$0x19100] =	vst v4  }
0xb1: {  	v51 =	vsel vm3, v31, v16;
	[tilespmem:$0x19110] =	vst v48  }
0xb2: {  	v2 =	vmax.f32 v23, v28;
	v54 =	vsel vm2, v30, v14;
	[tilespmem:$0x19120] =	vst v51  }
0xb3: {  	v3 =	vmax.f32 v22, v29;
	v2 =	vsel vm5, v23, v2;
	[tilespmem:$0x19130] =	vst v54  }
0xb4: {  	v47 =	vmax.f32 v21, v31;
	v46 =	vsel vm4, v22, v3;
	[tilespmem:$0x19080] =	vst v2  }
0xb5: {  	v50 =	vmax.f32 v19, v30;
	v49 =	vsel vm3, v21, v47;
	[tilespmem:$0x19090] =	vst v46  }
0xb6: {  	v52 =	vsel vm2, v19, v50;
	[tilespmem:$0x190A0] =	vst v49  }
0xb7: {  	v53 =	vmax.f32 v17, v25;
	v57 =	vsel vm1, v25, v13;
	[tilespmem:$0x190B0] =	vst v52  }
0xb8: {  	v55 =	vsel vm1, v17, v53;
	[tilespmem:$0x19140] =	vst v57  }
0xb9: {  	v56 =	vmax.f32 v15, v24;
	v60 =	vsel vm0, v24, v11;
	[tilespmem:$0x190C0] =	vst v55  }
0xba: {  	vm14 =	veq.s32 v1, s6;
	v58 =	vsel vm0, v15, v56;
	[tilespmem:$0x19150] =	vst v60  }
0xbb: {  	v59 =	vmax.f32 v12, v26;
	v62 =	vsel vm14, v26, v9;
	[tilespmem:$0x190D0] =	vst v58  }
0xbc: {  	vm15 =	veq.s32 v0, s6;
	v1 =	vsel vm14, v12, v59;
	[tilespmem:$0x19160] =	vst v62  }
0xbd: {  	v61 =	vmax.f32 v10, v27;
	v63 =	vsel vm15, v27, v8;
	[tilespmem:$0x190E0] =	vst v1  }
0xbe: {  	v0 =	vsel vm15, v10, v61;
	[tilespmem:$0x19170] =	vst v63  }
0xbf: {  	s0 =	rddreg [dreg:$0x8];
	s5 =	simm.s32 $0x19080;
	[tilespmem:$0x190F0] =	vst v0  }
0xc0: {  	[hbm4b:s0+s3] =	stream.linear.scatter [tilespmem:s5], [sflag:$0x5], $0x80, $0x38;
	[tilespmem:$0x19180] =	vst v63  }
0xc1: {  	_ =	swait.ge [sflag:s20], $0x80  }
0xc2: {  	[sflag:s20] =	ssyncset.done $0x0  }
0xc3: {  	s17 =	simm.s32 $0x19100;
	s16 =	rddreg [dreg:$0x9];
	[sflag:s20] =	ssyncadd.s32 $0xFFFFFF80  }
0xc4: {  	[hbm4b:s16+s3] =	stream.linear.scatter [tilespmem:s17], [sflag:$0x5], $0x80, $0x38;
	[tilespmem:$0x19180] =	vst v63  }
0xc5: {  	_ =	swait.ge [sflag:s20], $0x80  }
0xc6: {  	s24 =	sadd.s32 $0x1, s24;
	s18 =	rddreg [dreg:$0xa]  }
0xc7: {  	p0 =	sne.s32 s24, s18  }
.Ltmp6:
0xc8: {  	_ = 	snop;
	(pc) =	sbr.rel @p0 .LBB2_1-.Ltmp6, $3  }
0xc9: {  	_ =	sdelay $0x1  }
0xca: {  	[sflag:s20] =	ssyncset.done $0x0  }
0xcb: {  	[sflag:s20] =	ssyncadd.s32 $0xFFFFFF80  }
0xcc: {  	_ =	sfence.sel $0x180000  }
0xcd: {  	[bflag:$0x0] =	sbarrier.arrive $0xFFFF  }
0xce: {  	_ =	strace $0x90000047  }
0xcf: {  	s0 =	stileid.u32;
	[bflag:$0x2] =	sbarrier.arrive $0xFFFF  }
0xd0: {  	p0 =	sne.s32 s0, $0x0;
	s0 =	rddreg [dreg:$0x3]  }
0xd1: {  	s0 =	sadd.s32 @!p0 $0x100000, s0  }
0xd2: {  	[sflag:s0] =	ssyncadd.tile.s32 @!p0 $0x1;
	_ =	shalt  }
.Lfunc_end2:
_tile_overlayer_lowered:
.L_overlay_start_2:
0xd3: {  	(tag) =	ssettag $0x2  }
0xd4: {  	s0 =	rddreg [dreg:$0x0];
	s2 =	stileid.u32  }
0xd5: {  	s1 =	rddreg [dreg:$0x1];
	p0 =	sne.s32 s2, $0x0  }
0xd6: {  	s3 =	rddreg [dreg:$0x2];
	[bflag:$0x3] =	sbarrier.arrive $0xFFFF;
	s2 =	simm.s32 @!p0 $0x1C06  }
0xd7: {  	[timem:s3], [sflag:s2] =	dma.local @!p0 [hbm:s0], s1  }
0xd8: {  	s0 =	simm.s32 @!p0 $0x6  }
0xd9: {  	_ =	swait.ge @!p0 [sflag:s0], s1  }
0xda: {  	s1 =	ssub.s32 @!p0 $0x0, s1;
	[sflag:s0] =	ssyncset.done @!p0 $0x0  }
0xdb: {  	[sflag:s0] =	ssyncadd.s32 @!p0 s1  }
0xdc: {  	[bflag:$0x3] =	sbarrier.arrive $0xFFFF  }
0xdd: {  	_ =	shalt  }

</sc_bundles>
